<compile_context>
chip_gen: v7x
topology: tpu7x:2x2x1
jax: 0.10.2.dev20260603
libtpu: 0.0.44.dev20260713+nightly
codegen_flags: <defaults>
</compile_context>

<pallas_src>
import functools

import jax
import jax.numpy as jnp
from jax import lax
from jax.experimental import pallas as pl
from jax.experimental.pallas import tpu as pltpu
from jax.experimental.pallas import tpu_sc as plsc

MAX_REL = 100
EMB = 64
IDS_MINOR = 128


@functools.lru_cache(maxsize=None)
def _build(n_ids_rows: int, n_table_rows: int):
    info = plsc.get_sparse_core_info()
    num_workers = info.num_cores * info.num_subcores
    rows_per_worker = n_ids_rows // num_workers
    rows_per_chunk = 4
    n_chunks = rows_per_worker // rows_per_chunk
    chunk = rows_per_chunk * IDS_MINOR

    mesh = plsc.VectorSubcoreMesh(core_axis_name="c", subcore_axis_name="s")

    @functools.partial(
        pl.kernel,
        mesh=mesh,
        out_type=jax.ShapeDtypeStruct((n_ids_rows * IDS_MINOR, EMB), jnp.float32),
        scratch_types=[
            pltpu.VMEM((rows_per_worker, IDS_MINOR), jnp.int32),
            pltpu.VMEM((chunk, EMB), jnp.float32),
            pltpu.VMEM((chunk, EMB), jnp.float32),
            pltpu.VMEM_SHARED((n_table_rows, EMB), jnp.float32),
            pltpu.SemaphoreType.DMA,
            pltpu.SemaphoreType.DMA,
            pltpu.SemaphoreType.DMA,
        ],
        compiler_params=pltpu.CompilerParams(use_tc_tiling_on_sc=False),
    )
    def k(ids_hbm, w_hbm, out_hbm, idx_v, rows0, rows1, table_sh, gsem, osem0, osem1):
        sid = lax.axis_index("s")
        wid = sid * info.num_cores + lax.axis_index("c")
        row0 = wid * rows_per_worker
        out0 = row0 * IDS_MINOR
        rows_bufs = (rows0, rows1)
        osems = (osem0, osem1)

        @pl.when(sid == 0)
        def _():
            pltpu.sync_copy(w_hbm, table_sh)

        pltpu.sync_copy(ids_hbm.at[pl.ds(row0, rows_per_worker)], idx_v)

        def clamp_row(r, carry):
            for kk in range(IDS_MINOR // 16):
                sl = pl.ds(kk * 16, 16)
                idx_v[r, sl] = jnp.minimum(idx_v[r, sl], MAX_REL)
            return carry

        lax.fori_loop(0, rows_per_worker, clamp_row, 0)
        plsc.subcore_barrier()

        def gather_chunk(ch, buf):
            copies = [
                pltpu.async_copy(
                    table_sh.at[idx_v.at[ch * rows_per_chunk + j]],
                    buf.at[pl.ds(j * IDS_MINOR, IDS_MINOR)],
                    gsem,
                )
                for j in range(rows_per_chunk)
            ]
            for c in copies:
                c.wait()

        def writeback(ch, buf, sem):
            return pltpu.make_async_copy(
                buf, out_hbm.at[pl.ds(out0 + ch * chunk, chunk)], sem
            )

        for b in (0, 1):
            gather_chunk(b, rows_bufs[b])
            writeback(b, rows_bufs[b], osems[b]).start()

        def body(g, carry):
            for b in (0, 1):
                ch = 2 * g + b
                writeback(ch - 2, rows_bufs[b], osems[b]).wait()
                gather_chunk(ch, rows_bufs[b])
                writeback(ch, rows_bufs[b], osems[b]).start()
            return carry

        lax.fori_loop(1, n_chunks // 2, body, 0)

        for b in (0, 1):
            writeback(n_chunks - 2 + b, rows_bufs[b], osems[b]).wait()

    return k


def kernel(relative_position_ids, weight):
    b, h = relative_position_ids.shape
    ids2 = relative_position_ids.astype(jnp.int32).reshape(-1, IDS_MINOR)
    out = _build(ids2.shape[0], weight.shape[0])(ids2, weight)
    return out.reshape(b, h, EMB)

# --- scband reference (transcript-rebuilt; emitter-appended) ---
"""Pipeline reference for scband-relative-position-embedding-88802743812449 (READ-ONLY COPY).

The authoritative reference and input builder live on the scoring server;
editing this copy changes nothing except your own understanding.
"""

import jax, jax.numpy as jnp
import numpy as np

MAX_REL = 100
NUM_POS = MAX_REL + 2  # 102
EMB = 64
BATCH = 4096
HIST = 200
PAD = 0


def setup_inputs(seed: int = 0) -> dict:
    key = jax.random.key(seed)
    k1, k2 = jax.random.split(key)
    relative_position_ids = jax.random.randint(k1, (BATCH, HIST), 0, NUM_POS)
    # learned embedding table; padding row (index 0) initialized to zeros,
    # matching nn.Embedding(padding_idx=0) after xavier init + zeroing pad row
    weight = jax.random.normal(k2, (NUM_POS, EMB), dtype=jnp.float32) * 0.02
    weight = weight.at[PAD].set(0.0)
    return {"relative_position_ids": relative_position_ids, "weight": weight}


def reference(relative_position_ids, weight):
    # _transform_relative_position_ids: clamp ids > max_relative_position
    ids = jnp.where(relative_position_ids > MAX_REL, MAX_REL, relative_position_ids)
    # embedding lookup (gather)
    emb = jnp.take(weight, ids, axis=0)
    # padding_idx semantics: output for pad position is exactly zero
    emb = jnp.where((ids != PAD)[..., None], emb, 0.0)
    return emb

if __name__ == "__main__":
    import jax
    _d = setup_inputs()
    print(jax.jit(kernel)(*tuple(_d.values())))

</pallas_src>

<mosaic_0001>
#map = affine_map<(d0, d1) -> (0, 0)>
module attributes {stable_mosaic.version = 14 : i64} {
  func.func @k(%arg0: i32, %arg1: i32, %arg2: memref<6400x128xi32, #tpu.memory_space<hbm>>, %arg3: memref<102x64xf32, #tpu.memory_space<hbm>>, %arg4: memref<819200x64xf32, #tpu.memory_space<hbm>>, %arg5: memref<200x128xi32, #tpu.memory_space<vmem>>, %arg6: memref<512x64xf32, #tpu.memory_space<vmem>>, %arg7: memref<512x64xf32, #tpu.memory_space<vmem>>, %arg8: memref<102x64xf32, #tpu.memory_space<vmem_shared>>, %arg9: memref<!tpu.dma_semaphore, #tpu.memory_space<semaphore_mem>>, %arg10: memref<!tpu.dma_semaphore, #tpu.memory_space<semaphore_mem>>, %arg11: memref<!tpu.dma_semaphore, #tpu.memory_space<semaphore_mem>>) attributes {dimension_semantics = [#tpu.dimension_semantics<core_parallel>, #tpu.dimension_semantics<subcore_parallel>], iteration_bounds = array<i64: 2, 16>, scalar_prefetch = 0 : i64, scratch_operands = 7 : i64, tpu.core_type = #tpu.core_type<sc_vector_subcore>, window_params = [{transform_indices = #map}, {transform_indices = #map}, {transform_indices = #map}]} {
    %mul3A = arith.constant 2 : i32
    %mul3A_0 = arith.muli %arg1, %mul3A : i32
    %add3A = arith.addi %mul3A_0, %arg0 : i32
    %mul3A_1 = arith.constant 200 : i32
    %mul3A_2 = arith.muli %add3A, %mul3A_1 : i32
    %mul3A_3 = arith.constant 128 : i32
    %mul3A_4 = arith.muli %mul3A_2, %mul3A_3 : i32
    %eq3A = arith.constant 0 : i32
    %eq3A_5 = arith.cmpi eq, %arg1, %eq3A : i32
    %convert_element_type3A = arith.extui %eq3A_5 : i1 to i32
    %cond3A = arith.constant 0 : i32
    %cond3A_6 = arith.cmpi ne, %convert_element_type3A, %cond3A : i32
    scf.if %cond3A_6 {
      "tpu.region"() ({
        %run_scoped3A = tpu.sem_alloc : memref<!tpu.dma_semaphore, #tpu.memory_space<semaphore_mem>>
        tpu.enqueue_dma source(%arg3 : memref<102x64xf32, #tpu.memory_space<hbm>>) target(%arg8 : memref<102x64xf32, #tpu.memory_space<vmem_shared>>) target_semaphore(%run_scoped3A : memref<!tpu.dma_semaphore, #tpu.memory_space<semaphore_mem>>)
        tpu.wait_dma2 semaphore(%run_scoped3A : memref<!tpu.dma_semaphore, #tpu.memory_space<semaphore_mem>>) src(%arg3 : memref<102x64xf32, #tpu.memory_space<hbm>>) dst(%arg8 : memref<102x64xf32, #tpu.memory_space<vmem_shared>>)
        tpu.yield
      }) : () -> ()
    } else {
    }
    "tpu.region"() ({
      %run_scoped3A = tpu.sem_alloc : memref<!tpu.dma_semaphore, #tpu.memory_space<semaphore_mem>>
      %dma_start3A_200 = arith.constant 0 : i32
      %dma_start3A_201 = tpu.memref_slice %arg2[%mul3A_2, %dma_start3A_200] : memref<6400x128xi32, #tpu.memory_space<hbm>> -> memref<200x128xi32, #tpu.memory_space<hbm>>
      %dma_start3A_202 = arith.constant 0 : i32
      %dma_start3A_203 = tpu.memref_slice %arg2[%mul3A_2, %dma_start3A_202] : memref<6400x128xi32, #tpu.memory_space<hbm>> -> memref<200x128xi32, #tpu.memory_space<hbm>>
      tpu.enqueue_dma source(%dma_start3A_203 : memref<200x128xi32, #tpu.memory_space<hbm>>) target(%arg5 : memref<200x128xi32, #tpu.memory_space<vmem>>) target_semaphore(%run_scoped3A : memref<!tpu.dma_semaphore, #tpu.memory_space<semaphore_mem>>)
      %dma_wait3A_204 = arith.constant 0 : i32
      %dma_wait3A_205 = tpu.memref_slice %arg2[%mul3A_2, %dma_wait3A_204] : memref<6400x128xi32, #tpu.memory_space<hbm>> -> memref<200x128xi32, #tpu.memory_space<hbm>>
      %dma_wait3A_206 = arith.constant 0 : i32
      %dma_wait3A_207 = tpu.memref_slice %arg2[%mul3A_2, %dma_wait3A_206] : memref<6400x128xi32, #tpu.memory_space<hbm>> -> memref<200x128xi32, #tpu.memory_space<hbm>>
      tpu.wait_dma2 semaphore(%run_scoped3A : memref<!tpu.dma_semaphore, #tpu.memory_space<semaphore_mem>>) src(%dma_wait3A_207 : memref<200x128xi32, #tpu.memory_space<hbm>>) dst(%arg5 : memref<200x128xi32, #tpu.memory_space<vmem>>)
      tpu.yield
    }) : () -> ()
    %scan3A = arith.constant 0 : i32
    %scan3A_7 = arith.constant 0 : i32
    %scan3A_8 = arith.constant 200 : i32
    %scan3A_9 = arith.addi %scan3A_7, %scan3A_8 : i32
    %scan3A_10 = arith.constant 1 : i32
    scf.for %scan3A_200 = %scan3A_7 to %scan3A_9 step %scan3A_10  : i32 {
      %get3A = arith.index_cast %scan3A_200 : i32 to index
      %get3A_201 = arith.constant 0 : index
      %get3A_202 = tpu.vector_load %arg5[%get3A, %get3A_201] {strides = array<i32>} : memref<200x128xi32, #tpu.memory_space<vmem>>, vector<1x16xi32>,
      %get3A_203 = vector.shape_cast %get3A_202 : vector<1x16xi32> to vector<16xi32>
      %min3A = arith.constant 100 : i32
      %min3A_204 = vector.broadcast %min3A : i32 to vector<16xi32>
      %min3A_205 = arith.minsi %get3A_203, %min3A_204 : vector<16xi32>
      %swap3A = arith.index_cast %scan3A_200 : i32 to index
      %swap3A_206 = arith.constant 0 : index
      %swap3A_207 = tpu.vector_load %arg5[%swap3A, %swap3A_206] {strides = array<i32>} : memref<200x128xi32, #tpu.memory_space<vmem>>, vector<1x16xi32>,
      %swap3A_208 = vector.shape_cast %swap3A_207 : vector<1x16xi32> to vector<16xi32>
      %swap3A_209 = vector.shape_cast %min3A_205 : vector<16xi32> to vector<1x16xi32>
      tpu.vector_store %arg5[%swap3A, %swap3A_206], %swap3A_209 {strides = array<i32>} : memref<200x128xi32, #tpu.memory_space<vmem>>, vector<1x16xi32>,
      %get3A_210 = arith.index_cast %scan3A_200 : i32 to index
      %get3A_211 = arith.constant 16 : index
      %get3A_212 = tpu.vector_load %arg5[%get3A_210, %get3A_211] {strides = array<i32>} : memref<200x128xi32, #tpu.memory_space<vmem>>, vector<1x16xi32>,
      %get3A_213 = vector.shape_cast %get3A_212 : vector<1x16xi32> to vector<16xi32>
      %min3A_214 = arith.constant 100 : i32
      %min3A_215 = vector.broadcast %min3A_214 : i32 to vector<16xi32>
      %min3A_216 = arith.minsi %get3A_213, %min3A_215 : vector<16xi32>
      %swap3A_217 = arith.index_cast %scan3A_200 : i32 to index
      %swap3A_218 = arith.constant 16 : index
      %swap3A_219 = tpu.vector_load %arg5[%swap3A_217, %swap3A_218] {strides = array<i32>} : memref<200x128xi32, #tpu.memory_space<vmem>>, vector<1x16xi32>,
      %swap3A_220 = vector.shape_cast %swap3A_219 : vector<1x16xi32> to vector<16xi32>
      %swap3A_221 = vector.shape_cast %min3A_216 : vector<16xi32> to vector<1x16xi32>
      tpu.vector_store %arg5[%swap3A_217, %swap3A_218], %swap3A_221 {strides = array<i32>} : memref<200x128xi32, #tpu.memory_space<vmem>>, vector<1x16xi32>,
      %get3A_222 = arith.index_cast %scan3A_200 : i32 to index
      %get3A_223 = arith.constant 32 : index
      %get3A_224 = tpu.vector_load %arg5[%get3A_222, %get3A_223] {strides = array<i32>} : memref<200x128xi32, #tpu.memory_space<vmem>>, vector<1x16xi32>,
      %get3A_225 = vector.shape_cast %get3A_224 : vector<1x16xi32> to vector<16xi32>
      %min3A_226 = arith.constant 100 : i32
      %min3A_227 = vector.broadcast %min3A_226 : i32 to vector<16xi32>
      %min3A_228 = arith.minsi %get3A_225, %min3A_227 : vector<16xi32>
      %swap3A_229 = arith.index_cast %scan3A_200 : i32 to index
      %swap3A_230 = arith.constant 32 : index
      %swap3A_231 = tpu.vector_load %arg5[%swap3A_229, %swap3A_230] {strides = array<i32>} : memref<200x128xi32, #tpu.memory_space<vmem>>, vector<1x16xi32>,
      %swap3A_232 = vector.shape_cast %swap3A_231 : vector<1x16xi32> to vector<16xi32>
      %swap3A_233 = vector.shape_cast %min3A_228 : vector<16xi32> to vector<1x16xi32>
      tpu.vector_store %arg5[%swap3A_229, %swap3A_230], %swap3A_233 {strides = array<i32>} : memref<200x128xi32, #tpu.memory_space<vmem>>, vector<1x16xi32>,
      %get3A_234 = arith.index_cast %scan3A_200 : i32 to index
      %get3A_235 = arith.constant 48 : index
      %get3A_236 = tpu.vector_load %arg5[%get3A_234, %get3A_235] {strides = array<i32>} : memref<200x128xi32, #tpu.memory_space<vmem>>, vector<1x16xi32>,
      %get3A_237 = vector.shape_cast %get3A_236 : vector<1x16xi32> to vector<16xi32>
      %min3A_238 = arith.constant 100 : i32
      %min3A_239 = vector.broadcast %min3A_238 : i32 to vector<16xi32>
      %min3A_240 = arith.minsi %get3A_237, %min3A_239 : vector<16xi32>
      %swap3A_241 = arith.index_cast %scan3A_200 : i32 to index
      %swap3A_242 = arith.constant 48 : index
      %swap3A_243 = tpu.vector_load %arg5[%swap3A_241, %swap3A_242] {strides = array<i32>} : memref<200x128xi32, #tpu.memory_space<vmem>>, vector<1x16xi32>,
      %swap3A_244 = vector.shape_cast %swap3A_243 : vector<1x16xi32> to vector<16xi32>
      %swap3A_245 = vector.shape_cast %min3A_240 : vector<16xi32> to vector<1x16xi32>
      tpu.vector_store %arg5[%swap3A_241, %swap3A_242], %swap3A_245 {strides = array<i32>} : memref<200x128xi32, #tpu.memory_space<vmem>>, vector<1x16xi32>,
      %get3A_246 = arith.index_cast %scan3A_200 : i32 to index
      %get3A_247 = arith.constant 64 : index
      %get3A_248 = tpu.vector_load %arg5[%get3A_246, %get3A_247] {strides = array<i32>} : memref<200x128xi32, #tpu.memory_space<vmem>>, vector<1x16xi32>,
      %get3A_249 = vector.shape_cast %get3A_248 : vector<1x16xi32> to vector<16xi32>
      %min3A_250 = arith.constant 100 : i32
      %min3A_251 = vector.broadcast %min3A_250 : i32 to vector<16xi32>
      %min3A_252 = arith.minsi %get3A_249, %min3A_251 : vector<16xi32>
      %swap3A_253 = arith.index_cast %scan3A_200 : i32 to index
      %swap3A_254 = arith.constant 64 : index
      %swap3A_255 = tpu.vector_load %arg5[%swap3A_253, %swap3A_254] {strides = array<i32>} : memref<200x128xi32, #tpu.memory_space<vmem>>, vector<1x16xi32>,
      %swap3A_256 = vector.shape_cast %swap3A_255 : vector<1x16xi32> to vector<16xi32>
      %swap3A_257 = vector.shape_cast %min3A_252 : vector<16xi32> to vector<1x16xi32>
      tpu.vector_store %arg5[%swap3A_253, %swap3A_254], %swap3A_257 {strides = array<i32>} : memref<200x128xi32, #tpu.memory_space<vmem>>, vector<1x16xi32>,
      %get3A_258 = arith.index_cast %scan3A_200 : i32 to index
      %get3A_259 = arith.constant 80 : index
      %get3A_260 = tpu.vector_load %arg5[%get3A_258, %get3A_259] {strides = array<i32>} : memref<200x128xi32, #tpu.memory_space<vmem>>, vector<1x16xi32>,
      %get3A_261 = vector.shape_cast %get3A_260 : vector<1x16xi32> to vector<16xi32>
      %min3A_262 = arith.constant 100 : i32
      %min3A_263 = vector.broadcast %min3A_262 : i32 to vector<16xi32>
      %min3A_264 = arith.minsi %get3A_261, %min3A_263 : vector<16xi32>
      %swap3A_265 = arith.index_cast %scan3A_200 : i32 to index
      %swap3A_266 = arith.constant 80 : index
      %swap3A_267 = tpu.vector_load %arg5[%swap3A_265, %swap3A_266] {strides = array<i32>} : memref<200x128xi32, #tpu.memory_space<vmem>>, vector<1x16xi32>,
      %swap3A_268 = vector.shape_cast %swap3A_267 : vector<1x16xi32> to vector<16xi32>
      %swap3A_269 = vector.shape_cast %min3A_264 : vector<16xi32> to vector<1x16xi32>
      tpu.vector_store %arg5[%swap3A_265, %swap3A_266], %swap3A_269 {strides = array<i32>} : memref<200x128xi32, #tpu.memory_space<vmem>>, vector<1x16xi32>,
      %get3A_270 = arith.index_cast %scan3A_200 : i32 to index
      %get3A_271 = arith.constant 96 : index
      %get3A_272 = tpu.vector_load %arg5[%get3A_270, %get3A_271] {strides = array<i32>} : memref<200x128xi32, #tpu.memory_space<vmem>>, vector<1x16xi32>,
      %get3A_273 = vector.shape_cast %get3A_272 : vector<1x16xi32> to vector<16xi32>
      %min3A_274 = arith.constant 100 : i32
      %min3A_275 = vector.broadcast %min3A_274 : i32 to vector<16xi32>
      %min3A_276 = arith.minsi %get3A_273, %min3A_275 : vector<16xi32>
      %swap3A_277 = arith.index_cast %scan3A_200 : i32 to index
      %swap3A_278 = arith.constant 96 : index
      %swap3A_279 = tpu.vector_load %arg5[%swap3A_277, %swap3A_278] {strides = array<i32>} : memref<200x128xi32, #tpu.memory_space<vmem>>, vector<1x16xi32>,
      %swap3A_280 = vector.shape_cast %swap3A_279 : vector<1x16xi32> to vector<16xi32>
      %swap3A_281 = vector.shape_cast %min3A_276 : vector<16xi32> to vector<1x16xi32>
      tpu.vector_store %arg5[%swap3A_277, %swap3A_278], %swap3A_281 {strides = array<i32>} : memref<200x128xi32, #tpu.memory_space<vmem>>, vector<1x16xi32>,
      %get3A_282 = arith.index_cast %scan3A_200 : i32 to index
      %get3A_283 = arith.constant 112 : index
      %get3A_284 = tpu.vector_load %arg5[%get3A_282, %get3A_283] {strides = array<i32>} : memref<200x128xi32, #tpu.memory_space<vmem>>, vector<1x16xi32>,
      %get3A_285 = vector.shape_cast %get3A_284 : vector<1x16xi32> to vector<16xi32>
      %min3A_286 = arith.constant 100 : i32
      %min3A_287 = vector.broadcast %min3A_286 : i32 to vector<16xi32>
      %min3A_288 = arith.minsi %get3A_285, %min3A_287 : vector<16xi32>
      %swap3A_289 = arith.index_cast %scan3A_200 : i32 to index
      %swap3A_290 = arith.constant 112 : index
      %swap3A_291 = tpu.vector_load %arg5[%swap3A_289, %swap3A_290] {strides = array<i32>} : memref<200x128xi32, #tpu.memory_space<vmem>>, vector<1x16xi32>,
      %swap3A_292 = vector.shape_cast %swap3A_291 : vector<1x16xi32> to vector<16xi32>
      %swap3A_293 = vector.shape_cast %min3A_288 : vector<16xi32> to vector<1x16xi32>
      tpu.vector_store %arg5[%swap3A_289, %swap3A_290], %swap3A_293 {strides = array<i32>} : memref<200x128xi32, #tpu.memory_space<vmem>>, vector<1x16xi32>,
    }
    %scan3A_11 = arith.constant 200 : i32
    %barrier3A = arith.constant 0 : index
    tpu.barrier barrier_id(%barrier3A)
    %dma_start3A = arith.constant 0 : i32
    %dma_start3A_12 = arith.constant 0 : i32
    %dma_start3A_13 = arith.constant 0 : i32
    %dma_start3A_14 = tpu.memref_slice %arg6[%dma_start3A_12, %dma_start3A_13] : memref<512x64xf32, #tpu.memory_space<vmem>> -> memref<128x64xf32, #tpu.memory_space<vmem>>
    %dma_start3A_15 = arith.constant 0 : i32
    %dma_start3A_16 = tpu.memref_slice %arg5[%dma_start3A, %dma_start3A_15] : memref<200x128xi32, #tpu.memory_space<vmem>> -> memref<1x128xi32, #tpu.memory_space<vmem>>
    %dma_start3A_17 = tpu.memref_squeeze %dma_start3A_16 : memref<1x128xi32, #tpu.memory_space<vmem>> -> memref<128xi32, #tpu.memory_space<vmem>>
    %dma_start3A_18 = arith.constant 0 : i32
    %dma_start3A_19 = arith.constant 0 : i32
    %dma_start3A_20 = tpu.memref_slice %arg8[%dma_start3A_18, %dma_start3A_19] : memref<102x64xf32, #tpu.memory_space<vmem_shared>> -> memref<102x64xf32, #tpu.memory_space<vmem_shared>>
    tpu.enqueue_indirect_dma source(%dma_start3A_20 : memref<102x64xf32, #tpu.memory_space<vmem_shared>>) target(%dma_start3A_14 : memref<128x64xf32, #tpu.memory_space<vmem>>) offsets(%dma_start3A_17 : memref<128xi32, #tpu.memory_space<vmem>>) semaphore(%arg9 : memref<!tpu.dma_semaphore, #tpu.memory_space<semaphore_mem>>)
    %dma_start3A_21 = arith.constant 1 : i32
    %dma_start3A_22 = arith.constant 128 : i32
    %dma_start3A_23 = arith.constant 0 : i32
    %dma_start3A_24 = tpu.memref_slice %arg6[%dma_start3A_22, %dma_start3A_23] : memref<512x64xf32, #tpu.memory_space<vmem>> -> memref<128x64xf32, #tpu.memory_space<vmem>>
    %dma_start3A_25 = arith.constant 0 : i32
    %dma_start3A_26 = tpu.memref_slice %arg5[%dma_start3A_21, %dma_start3A_25] : memref<200x128xi32, #tpu.memory_space<vmem>> -> memref<1x128xi32, #tpu.memory_space<vmem>>
    %dma_start3A_27 = tpu.memref_squeeze %dma_start3A_26 : memref<1x128xi32, #tpu.memory_space<vmem>> -> memref<128xi32, #tpu.memory_space<vmem>>
    %dma_start3A_28 = arith.constant 0 : i32
    %dma_start3A_29 = arith.constant 0 : i32
    %dma_start3A_30 = tpu.memref_slice %arg8[%dma_start3A_28, %dma_start3A_29] : memref<102x64xf32, #tpu.memory_space<vmem_shared>> -> memref<102x64xf32, #tpu.memory_space<vmem_shared>>
    tpu.enqueue_indirect_dma source(%dma_start3A_30 : memref<102x64xf32, #tpu.memory_space<vmem_shared>>) target(%dma_start3A_24 : memref<128x64xf32, #tpu.memory_space<vmem>>) offsets(%dma_start3A_27 : memref<128xi32, #tpu.memory_space<vmem>>) semaphore(%arg9 : memref<!tpu.dma_semaphore, #tpu.memory_space<semaphore_mem>>)
    %dma_start3A_31 = arith.constant 2 : i32
    %dma_start3A_32 = arith.constant 256 : i32
    %dma_start3A_33 = arith.constant 0 : i32
    %dma_start3A_34 = tpu.memref_slice %arg6[%dma_start3A_32, %dma_start3A_33] : memref<512x64xf32, #tpu.memory_space<vmem>> -> memref<128x64xf32, #tpu.memory_space<vmem>>
    %dma_start3A_35 = arith.constant 0 : i32
    %dma_start3A_36 = tpu.memref_slice %arg5[%dma_start3A_31, %dma_start3A_35] : memref<200x128xi32, #tpu.memory_space<vmem>> -> memref<1x128xi32, #tpu.memory_space<vmem>>
    %dma_start3A_37 = tpu.memref_squeeze %dma_start3A_36 : memref<1x128xi32, #tpu.memory_space<vmem>> -> memref<128xi32, #tpu.memory_space<vmem>>
    %dma_start3A_38 = arith.constant 0 : i32
    %dma_start3A_39 = arith.constant 0 : i32
    %dma_start3A_40 = tpu.memref_slice %arg8[%dma_start3A_38, %dma_start3A_39] : memref<102x64xf32, #tpu.memory_space<vmem_shared>> -> memref<102x64xf32, #tpu.memory_space<vmem_shared>>
    tpu.enqueue_indirect_dma source(%dma_start3A_40 : memref<102x64xf32, #tpu.memory_space<vmem_shared>>) target(%dma_start3A_34 : memref<128x64xf32, #tpu.memory_space<vmem>>) offsets(%dma_start3A_37 : memref<128xi32, #tpu.memory_space<vmem>>) semaphore(%arg9 : memref<!tpu.dma_semaphore, #tpu.memory_space<semaphore_mem>>)
    %dma_start3A_41 = arith.constant 3 : i32
    %dma_start3A_42 = arith.constant 384 : i32
    %dma_start3A_43 = arith.constant 0 : i32
    %dma_start3A_44 = tpu.memref_slice %arg6[%dma_start3A_42, %dma_start3A_43] : memref<512x64xf32, #tpu.memory_space<vmem>> -> memref<128x64xf32, #tpu.memory_space<vmem>>
    %dma_start3A_45 = arith.constant 0 : i32
    %dma_start3A_46 = tpu.memref_slice %arg5[%dma_start3A_41, %dma_start3A_45] : memref<200x128xi32, #tpu.memory_space<vmem>> -> memref<1x128xi32, #tpu.memory_space<vmem>>
    %dma_start3A_47 = tpu.memref_squeeze %dma_start3A_46 : memref<1x128xi32, #tpu.memory_space<vmem>> -> memref<128xi32, #tpu.memory_space<vmem>>
    %dma_start3A_48 = arith.constant 0 : i32
    %dma_start3A_49 = arith.constant 0 : i32
    %dma_start3A_50 = tpu.memref_slice %arg8[%dma_start3A_48, %dma_start3A_49] : memref<102x64xf32, #tpu.memory_space<vmem_shared>> -> memref<102x64xf32, #tpu.memory_space<vmem_shared>>
    tpu.enqueue_indirect_dma source(%dma_start3A_50 : memref<102x64xf32, #tpu.memory_space<vmem_shared>>) target(%dma_start3A_44 : memref<128x64xf32, #tpu.memory_space<vmem>>) offsets(%dma_start3A_47 : memref<128xi32, #tpu.memory_space<vmem>>) semaphore(%arg9 : memref<!tpu.dma_semaphore, #tpu.memory_space<semaphore_mem>>)
    %dma_wait3A = arith.constant 0 : i32
    %dma_wait3A_51 = arith.constant 0 : i32
    %dma_wait3A_52 = arith.constant 0 : i32
    %dma_wait3A_53 = tpu.memref_slice %arg6[%dma_wait3A_51, %dma_wait3A_52] : memref<512x64xf32, #tpu.memory_space<vmem>> -> memref<128x64xf32, #tpu.memory_space<vmem>>
    %dma_wait3A_54 = arith.constant 0 : i32
    %dma_wait3A_55 = tpu.memref_slice %arg5[%dma_wait3A, %dma_wait3A_54] : memref<200x128xi32, #tpu.memory_space<vmem>> -> memref<1x128xi32, #tpu.memory_space<vmem>>
    %dma_wait3A_56 = tpu.memref_squeeze %dma_wait3A_55 : memref<1x128xi32, #tpu.memory_space<vmem>> -> memref<128xi32, #tpu.memory_space<vmem>>
    %dma_wait3A_57 = arith.constant 0 : i32
    %dma_wait3A_58 = arith.constant 0 : i32
    %dma_wait3A_59 = tpu.memref_slice %arg8[%dma_wait3A_57, %dma_wait3A_58] : memref<102x64xf32, #tpu.memory_space<vmem_shared>> -> memref<102x64xf32, #tpu.memory_space<vmem_shared>>
    tpu.wait_indirect_dma semaphore(%arg9 : memref<!tpu.dma_semaphore, #tpu.memory_space<semaphore_mem>>) src(%dma_wait3A_59 : memref<102x64xf32, #tpu.memory_space<vmem_shared>>) dst(%dma_wait3A_53 : memref<128x64xf32, #tpu.memory_space<vmem>>)
    %dma_wait3A_60 = arith.constant 1 : i32
    %dma_wait3A_61 = arith.constant 128 : i32
    %dma_wait3A_62 = arith.constant 0 : i32
    %dma_wait3A_63 = tpu.memref_slice %arg6[%dma_wait3A_61, %dma_wait3A_62] : memref<512x64xf32, #tpu.memory_space<vmem>> -> memref<128x64xf32, #tpu.memory_space<vmem>>
    %dma_wait3A_64 = arith.constant 0 : i32
    %dma_wait3A_65 = tpu.memref_slice %arg5[%dma_wait3A_60, %dma_wait3A_64] : memref<200x128xi32, #tpu.memory_space<vmem>> -> memref<1x128xi32, #tpu.memory_space<vmem>>
    %dma_wait3A_66 = tpu.memref_squeeze %dma_wait3A_65 : memref<1x128xi32, #tpu.memory_space<vmem>> -> memref<128xi32, #tpu.memory_space<vmem>>
    %dma_wait3A_67 = arith.constant 0 : i32
    %dma_wait3A_68 = arith.constant 0 : i32
    %dma_wait3A_69 = tpu.memref_slice %arg8[%dma_wait3A_67, %dma_wait3A_68] : memref<102x64xf32, #tpu.memory_space<vmem_shared>> -> memref<102x64xf32, #tpu.memory_space<vmem_shared>>
    tpu.wait_indirect_dma semaphore(%arg9 : memref<!tpu.dma_semaphore, #tpu.memory_space<semaphore_mem>>) src(%dma_wait3A_69 : memref<102x64xf32, #tpu.memory_space<vmem_shared>>) dst(%dma_wait3A_63 : memref<128x64xf32, #tpu.memory_space<vmem>>)
    %dma_wait3A_70 = arith.constant 2 : i32
    %dma_wait3A_71 = arith.constant 256 : i32
    %dma_wait3A_72 = arith.constant 0 : i32
    %dma_wait3A_73 = tpu.memref_slice %arg6[%dma_wait3A_71, %dma_wait3A_72] : memref<512x64xf32, #tpu.memory_space<vmem>> -> memref<128x64xf32, #tpu.memory_space<vmem>>
    %dma_wait3A_74 = arith.constant 0 : i32
    %dma_wait3A_75 = tpu.memref_slice %arg5[%dma_wait3A_70, %dma_wait3A_74] : memref<200x128xi32, #tpu.memory_space<vmem>> -> memref<1x128xi32, #tpu.memory_space<vmem>>
    %dma_wait3A_76 = tpu.memref_squeeze %dma_wait3A_75 : memref<1x128xi32, #tpu.memory_space<vmem>> -> memref<128xi32, #tpu.memory_space<vmem>>
    %dma_wait3A_77 = arith.constant 0 : i32
    %dma_wait3A_78 = arith.constant 0 : i32
    %dma_wait3A_79 = tpu.memref_slice %arg8[%dma_wait3A_77, %dma_wait3A_78] : memref<102x64xf32, #tpu.memory_space<vmem_shared>> -> memref<102x64xf32, #tpu.memory_space<vmem_shared>>
    tpu.wait_indirect_dma semaphore(%arg9 : memref<!tpu.dma_semaphore, #tpu.memory_space<semaphore_mem>>) src(%dma_wait3A_79 : memref<102x64xf32, #tpu.memory_space<vmem_shared>>) dst(%dma_wait3A_73 : memref<128x64xf32, #tpu.memory_space<vmem>>)
    %dma_wait3A_80 = arith.constant 3 : i32
    %dma_wait3A_81 = arith.constant 384 : i32
    %dma_wait3A_82 = arith.constant 0 : i32
    %dma_wait3A_83 = tpu.memref_slice %arg6[%dma_wait3A_81, %dma_wait3A_82] : memref<512x64xf32, #tpu.memory_space<vmem>> -> memref<128x64xf32, #tpu.memory_space<vmem>>
    %dma_wait3A_84 = arith.constant 0 : i32
    %dma_wait3A_85 = tpu.memref_slice %arg5[%dma_wait3A_80, %dma_wait3A_84] : memref<200x128xi32, #tpu.memory_space<vmem>> -> memref<1x128xi32, #tpu.memory_space<vmem>>
    %dma_wait3A_86 = tpu.memref_squeeze %dma_wait3A_85 : memref<1x128xi32, #tpu.memory_space<vmem>> -> memref<128xi32, #tpu.memory_space<vmem>>
    %dma_wait3A_87 = arith.constant 0 : i32
    %dma_wait3A_88 = arith.constant 0 : i32
    %dma_wait3A_89 = tpu.memref_slice %arg8[%dma_wait3A_87, %dma_wait3A_88] : memref<102x64xf32, #tpu.memory_space<vmem_shared>> -> memref<102x64xf32, #tpu.memory_space<vmem_shared>>
    tpu.wait_indirect_dma semaphore(%arg9 : memref<!tpu.dma_semaphore, #tpu.memory_space<semaphore_mem>>) src(%dma_wait3A_89 : memref<102x64xf32, #tpu.memory_space<vmem_shared>>) dst(%dma_wait3A_83 : memref<128x64xf32, #tpu.memory_space<vmem>>)
    %add3A_90 = arith.constant 0 : i32
    %add3A_91 = arith.addi %mul3A_4, %add3A_90 : i32
    %dma_start3A_92 = arith.constant 0 : i32
    %dma_start3A_93 = tpu.memref_slice %arg4[%add3A_91, %dma_start3A_92] : memref<819200x64xf32, #tpu.memory_space<hbm>> -> memref<512x64xf32, #tpu.memory_space<hbm>>
    %dma_start3A_94 = arith.constant 0 : i32
    %dma_start3A_95 = tpu.memref_slice %arg4[%add3A_91, %dma_start3A_94] : memref<819200x64xf32, #tpu.memory_space<hbm>> -> memref<512x64xf32, #tpu.memory_space<hbm>>
    tpu.enqueue_dma source(%arg6 : memref<512x64xf32, #tpu.memory_space<vmem>>) target(%dma_start3A_95 : memref<512x64xf32, #tpu.memory_space<hbm>>) target_semaphore(%arg10 : memref<!tpu.dma_semaphore, #tpu.memory_space<semaphore_mem>>)
    %dma_start3A_96 = arith.constant 4 : i32
    %dma_start3A_97 = arith.constant 0 : i32
    %dma_start3A_98 = arith.constant 0 : i32
    %dma_start3A_99 = tpu.memref_slice %arg7[%dma_start3A_97, %dma_start3A_98] : memref<512x64xf32, #tpu.memory_space<vmem>> -> memref<128x64xf32, #tpu.memory_space<vmem>>
    %dma_start3A_100 = arith.constant 0 : i32
    %dma_start3A_101 = tpu.memref_slice %arg5[%dma_start3A_96, %dma_start3A_100] : memref<200x128xi32, #tpu.memory_space<vmem>> -> memref<1x128xi32, #tpu.memory_space<vmem>>
    %dma_start3A_102 = tpu.memref_squeeze %dma_start3A_101 : memref<1x128xi32, #tpu.memory_space<vmem>> -> memref<128xi32, #tpu.memory_space<vmem>>
    %dma_start3A_103 = arith.constant 0 : i32
    %dma_start3A_104 = arith.constant 0 : i32
    %dma_start3A_105 = tpu.memref_slice %arg8[%dma_start3A_103, %dma_start3A_104] : memref<102x64xf32, #tpu.memory_space<vmem_shared>> -> memref<102x64xf32, #tpu.memory_space<vmem_shared>>
    tpu.enqueue_indirect_dma source(%dma_start3A_105 : memref<102x64xf32, #tpu.memory_space<vmem_shared>>) target(%dma_start3A_99 : memref<128x64xf32, #tpu.memory_space<vmem>>) offsets(%dma_start3A_102 : memref<128xi32, #tpu.memory_space<vmem>>) semaphore(%arg9 : memref<!tpu.dma_semaphore, #tpu.memory_space<semaphore_mem>>)
    %dma_start3A_106 = arith.constant 5 : i32
    %dma_start3A_107 = arith.constant 128 : i32
    %dma_start3A_108 = arith.constant 0 : i32
    %dma_start3A_109 = tpu.memref_slice %arg7[%dma_start3A_107, %dma_start3A_108] : memref<512x64xf32, #tpu.memory_space<vmem>> -> memref<128x64xf32, #tpu.memory_space<vmem>>
    %dma_start3A_110 = arith.constant 0 : i32
    %dma_start3A_111 = tpu.memref_slice %arg5[%dma_start3A_106, %dma_start3A_110] : memref<200x128xi32, #tpu.memory_space<vmem>> -> memref<1x128xi32, #tpu.memory_space<vmem>>
    %dma_start3A_112 = tpu.memref_squeeze %dma_start3A_111 : memref<1x128xi32, #tpu.memory_space<vmem>> -> memref<128xi32, #tpu.memory_space<vmem>>
    %dma_start3A_113 = arith.constant 0 : i32
    %dma_start3A_114 = arith.constant 0 : i32
    %dma_start3A_115 = tpu.memref_slice %arg8[%dma_start3A_113, %dma_start3A_114] : memref<102x64xf32, #tpu.memory_space<vmem_shared>> -> memref<102x64xf32, #tpu.memory_space<vmem_shared>>
    tpu.enqueue_indirect_dma source(%dma_start3A_115 : memref<102x64xf32, #tpu.memory_space<vmem_shared>>) target(%dma_start3A_109 : memref<128x64xf32, #tpu.memory_space<vmem>>) offsets(%dma_start3A_112 : memref<128xi32, #tpu.memory_space<vmem>>) semaphore(%arg9 : memref<!tpu.dma_semaphore, #tpu.memory_space<semaphore_mem>>)
    %dma_start3A_116 = arith.constant 6 : i32
    %dma_start3A_117 = arith.constant 256 : i32
    %dma_start3A_118 = arith.constant 0 : i32
    %dma_start3A_119 = tpu.memref_slice %arg7[%dma_start3A_117, %dma_start3A_118] : memref<512x64xf32, #tpu.memory_space<vmem>> -> memref<128x64xf32, #tpu.memory_space<vmem>>
    %dma_start3A_120 = arith.constant 0 : i32
    %dma_start3A_121 = tpu.memref_slice %arg5[%dma_start3A_116, %dma_start3A_120] : memref<200x128xi32, #tpu.memory_space<vmem>> -> memref<1x128xi32, #tpu.memory_space<vmem>>
    %dma_start3A_122 = tpu.memref_squeeze %dma_start3A_121 : memref<1x128xi32, #tpu.memory_space<vmem>> -> memref<128xi32, #tpu.memory_space<vmem>>
    %dma_start3A_123 = arith.constant 0 : i32
    %dma_start3A_124 = arith.constant 0 : i32
    %dma_start3A_125 = tpu.memref_slice %arg8[%dma_start3A_123, %dma_start3A_124] : memref<102x64xf32, #tpu.memory_space<vmem_shared>> -> memref<102x64xf32, #tpu.memory_space<vmem_shared>>
    tpu.enqueue_indirect_dma source(%dma_start3A_125 : memref<102x64xf32, #tpu.memory_space<vmem_shared>>) target(%dma_start3A_119 : memref<128x64xf32, #tpu.memory_space<vmem>>) offsets(%dma_start3A_122 : memref<128xi32, #tpu.memory_space<vmem>>) semaphore(%arg9 : memref<!tpu.dma_semaphore, #tpu.memory_space<semaphore_mem>>)
    %dma_start3A_126 = arith.constant 7 : i32
    %dma_start3A_127 = arith.constant 384 : i32
    %dma_start3A_128 = arith.constant 0 : i32
    %dma_start3A_129 = tpu.memref_slice %arg7[%dma_start3A_127, %dma_start3A_128] : memref<512x64xf32, #tpu.memory_space<vmem>> -> memref<128x64xf32, #tpu.memory_space<vmem>>
    %dma_start3A_130 = arith.constant 0 : i32
    %dma_start3A_131 = tpu.memref_slice %arg5[%dma_start3A_126, %dma_start3A_130] : memref<200x128xi32, #tpu.memory_space<vmem>> -> memref<1x128xi32, #tpu.memory_space<vmem>>
    %dma_start3A_132 = tpu.memref_squeeze %dma_start3A_131 : memref<1x128xi32, #tpu.memory_space<vmem>> -> memref<128xi32, #tpu.memory_space<vmem>>
    %dma_start3A_133 = arith.constant 0 : i32
    %dma_start3A_134 = arith.constant 0 : i32
    %dma_start3A_135 = tpu.memref_slice %arg8[%dma_start3A_133, %dma_start3A_134] : memref<102x64xf32, #tpu.memory_space<vmem_shared>> -> memref<102x64xf32, #tpu.memory_space<vmem_shared>>
    tpu.enqueue_indirect_dma source(%dma_start3A_135 : memref<102x64xf32, #tpu.memory_space<vmem_shared>>) target(%dma_start3A_129 : memref<128x64xf32, #tpu.memory_space<vmem>>) offsets(%dma_start3A_132 : memref<128xi32, #tpu.memory_space<vmem>>) semaphore(%arg9 : memref<!tpu.dma_semaphore, #tpu.memory_space<semaphore_mem>>)
    %dma_wait3A_136 = arith.constant 4 : i32
    %dma_wait3A_137 = arith.constant 0 : i32
    %dma_wait3A_138 = arith.constant 0 : i32
    %dma_wait3A_139 = tpu.memref_slice %arg7[%dma_wait3A_137, %dma_wait3A_138] : memref<512x64xf32, #tpu.memory_space<vmem>> -> memref<128x64xf32, #tpu.memory_space<vmem>>
    %dma_wait3A_140 = arith.constant 0 : i32
    %dma_wait3A_141 = tpu.memref_slice %arg5[%dma_wait3A_136, %dma_wait3A_140] : memref<200x128xi32, #tpu.memory_space<vmem>> -> memref<1x128xi32, #tpu.memory_space<vmem>>
    %dma_wait3A_142 = tpu.memref_squeeze %dma_wait3A_141 : memref<1x128xi32, #tpu.memory_space<vmem>> -> memref<128xi32, #tpu.memory_space<vmem>>
    %dma_wait3A_143 = arith.constant 0 : i32
    %dma_wait3A_144 = arith.constant 0 : i32
    %dma_wait3A_145 = tpu.memref_slice %arg8[%dma_wait3A_143, %dma_wait3A_144] : memref<102x64xf32, #tpu.memory_space<vmem_shared>> -> memref<102x64xf32, #tpu.memory_space<vmem_shared>>
    tpu.wait_indirect_dma semaphore(%arg9 : memref<!tpu.dma_semaphore, #tpu.memory_space<semaphore_mem>>) src(%dma_wait3A_145 : memref<102x64xf32, #tpu.memory_space<vmem_shared>>) dst(%dma_wait3A_139 : memref<128x64xf32, #tpu.memory_space<vmem>>)
    %dma_wait3A_146 = arith.constant 5 : i32
    %dma_wait3A_147 = arith.constant 128 : i32
    %dma_wait3A_148 = arith.constant 0 : i32
    %dma_wait3A_149 = tpu.memref_slice %arg7[%dma_wait3A_147, %dma_wait3A_148] : memref<512x64xf32, #tpu.memory_space<vmem>> -> memref<128x64xf32, #tpu.memory_space<vmem>>
    %dma_wait3A_150 = arith.constant 0 : i32
    %dma_wait3A_151 = tpu.memref_slice %arg5[%dma_wait3A_146, %dma_wait3A_150] : memref<200x128xi32, #tpu.memory_space<vmem>> -> memref<1x128xi32, #tpu.memory_space<vmem>>
    %dma_wait3A_152 = tpu.memref_squeeze %dma_wait3A_151 : memref<1x128xi32, #tpu.memory_space<vmem>> -> memref<128xi32, #tpu.memory_space<vmem>>
    %dma_wait3A_153 = arith.constant 0 : i32
    %dma_wait3A_154 = arith.constant 0 : i32
    %dma_wait3A_155 = tpu.memref_slice %arg8[%dma_wait3A_153, %dma_wait3A_154] : memref<102x64xf32, #tpu.memory_space<vmem_shared>> -> memref<102x64xf32, #tpu.memory_space<vmem_shared>>
    tpu.wait_indirect_dma semaphore(%arg9 : memref<!tpu.dma_semaphore, #tpu.memory_space<semaphore_mem>>) src(%dma_wait3A_155 : memref<102x64xf32, #tpu.memory_space<vmem_shared>>) dst(%dma_wait3A_149 : memref<128x64xf32, #tpu.memory_space<vmem>>)
    %dma_wait3A_156 = arith.constant 6 : i32
    %dma_wait3A_157 = arith.constant 256 : i32
    %dma_wait3A_158 = arith.constant 0 : i32
    %dma_wait3A_159 = tpu.memref_slice %arg7[%dma_wait3A_157, %dma_wait3A_158] : memref<512x64xf32, #tpu.memory_space<vmem>> -> memref<128x64xf32, #tpu.memory_space<vmem>>
    %dma_wait3A_160 = arith.constant 0 : i32
    %dma_wait3A_161 = tpu.memref_slice %arg5[%dma_wait3A_156, %dma_wait3A_160] : memref<200x128xi32, #tpu.memory_space<vmem>> -> memref<1x128xi32, #tpu.memory_space<vmem>>
    %dma_wait3A_162 = tpu.memref_squeeze %dma_wait3A_161 : memref<1x128xi32, #tpu.memory_space<vmem>> -> memref<128xi32, #tpu.memory_space<vmem>>
    %dma_wait3A_163 = arith.constant 0 : i32
    %dma_wait3A_164 = arith.constant 0 : i32
    %dma_wait3A_165 = tpu.memref_slice %arg8[%dma_wait3A_163, %dma_wait3A_164] : memref<102x64xf32, #tpu.memory_space<vmem_shared>> -> memref<102x64xf32, #tpu.memory_space<vmem_shared>>
    tpu.wait_indirect_dma semaphore(%arg9 : memref<!tpu.dma_semaphore, #tpu.memory_space<semaphore_mem>>) src(%dma_wait3A_165 : memref<102x64xf32, #tpu.memory_space<vmem_shared>>) dst(%dma_wait3A_159 : memref<128x64xf32, #tpu.memory_space<vmem>>)
    %dma_wait3A_166 = arith.constant 7 : i32
    %dma_wait3A_167 = arith.constant 384 : i32
    %dma_wait3A_168 = arith.constant 0 : i32
    %dma_wait3A_169 = tpu.memref_slice %arg7[%dma_wait3A_167, %dma_wait3A_168] : memref<512x64xf32, #tpu.memory_space<vmem>> -> memref<128x64xf32, #tpu.memory_space<vmem>>
    %dma_wait3A_170 = arith.constant 0 : i32
    %dma_wait3A_171 = tpu.memref_slice %arg5[%dma_wait3A_166, %dma_wait3A_170] : memref<200x128xi32, #tpu.memory_space<vmem>> -> memref<1x128xi32, #tpu.memory_space<vmem>>
    %dma_wait3A_172 = tpu.memref_squeeze %dma_wait3A_171 : memref<1x128xi32, #tpu.memory_space<vmem>> -> memref<128xi32, #tpu.memory_space<vmem>>
    %dma_wait3A_173 = arith.constant 0 : i32
    %dma_wait3A_174 = arith.constant 0 : i32
    %dma_wait3A_175 = tpu.memref_slice %arg8[%dma_wait3A_173, %dma_wait3A_174] : memref<102x64xf32, #tpu.memory_space<vmem_shared>> -> memref<102x64xf32, #tpu.memory_space<vmem_shared>>
    tpu.wait_indirect_dma semaphore(%arg9 : memref<!tpu.dma_semaphore, #tpu.memory_space<semaphore_mem>>) src(%dma_wait3A_175 : memref<102x64xf32, #tpu.memory_space<vmem_shared>>) dst(%dma_wait3A_169 : memref<128x64xf32, #tpu.memory_space<vmem>>)
    %add3A_176 = arith.constant 512 : i32
    %add3A_177 = arith.addi %mul3A_4, %add3A_176 : i32
    %dma_start3A_178 = arith.constant 0 : i32
    %dma_start3A_179 = tpu.memref_slice %arg4[%add3A_177, %dma_start3A_178] : memref<819200x64xf32, #tpu.memory_space<hbm>> -> memref<512x64xf32, #tpu.memory_space<hbm>>
    %dma_start3A_180 = arith.constant 0 : i32
    %dma_start3A_181 = tpu.memref_slice %arg4[%add3A_177, %dma_start3A_180] : memref<819200x64xf32, #tpu.memory_space<hbm>> -> memref<512x64xf32, #tpu.memory_space<hbm>>
    tpu.enqueue_dma source(%arg7 : memref<512x64xf32, #tpu.memory_space<vmem>>) target(%dma_start3A_181 : memref<512x64xf32, #tpu.memory_space<hbm>>) target_semaphore(%arg11 : memref<!tpu.dma_semaphore, #tpu.memory_space<semaphore_mem>>)
    %scan3A_182 = arith.constant 0 : i32
    %scan3A_183 = arith.constant 1 : i32
    %scan3A_184 = arith.constant 24 : i32
    %scan3A_185 = arith.addi %scan3A_183, %scan3A_184 : i32
    %scan3A_186 = arith.constant 1 : i32
    scf.for %scan3A_200 = %scan3A_183 to %scan3A_185 step %scan3A_186  : i32 {
      %mul3A_201 = arith.constant 2 : i32
      %mul3A_202 = arith.muli %mul3A_201, %scan3A_200 : i32
      %add3A_203 = arith.constant 0 : i32
      %add3A_204 = arith.addi %mul3A_202, %add3A_203 : i32
      %sub3A = arith.constant 2 : i32
      %sub3A_205 = arith.subi %add3A_204, %sub3A : i32
      %mul3A_206 = arith.constant 512 : i32
      %mul3A_207 = arith.muli %sub3A_205, %mul3A_206 : i32
      %add3A_208 = arith.addi %mul3A_4, %mul3A_207 : i32
      %dma_wait3A_209 = arith.constant 0 : i32
      %dma_wait3A_210 = tpu.memref_slice %arg4[%add3A_208, %dma_wait3A_209] : memref<819200x64xf32, #tpu.memory_space<hbm>> -> memref<512x64xf32, #tpu.memory_space<hbm>>
      %dma_wait3A_211 = arith.constant 0 : i32
      %dma_wait3A_212 = tpu.memref_slice %arg4[%add3A_208, %dma_wait3A_211] : memref<819200x64xf32, #tpu.memory_space<hbm>> -> memref<512x64xf32, #tpu.memory_space<hbm>>
      tpu.wait_dma2 semaphore(%arg10 : memref<!tpu.dma_semaphore, #tpu.memory_space<semaphore_mem>>) src(%arg6 : memref<512x64xf32, #tpu.memory_space<vmem>>) dst(%dma_wait3A_212 : memref<512x64xf32, #tpu.memory_space<hbm>>)
      %mul3A_213 = arith.constant 4 : i32
      %mul3A_214 = arith.muli %add3A_204, %mul3A_213 : i32
      %add3A_215 = arith.constant 0 : i32
      %add3A_216 = arith.addi %mul3A_214, %add3A_215 : i32
      %dma_start3A_217 = arith.constant 0 : i32
      %dma_start3A_218 = arith.constant 0 : i32
      %dma_start3A_219 = tpu.memref_slice %arg6[%dma_start3A_217, %dma_start3A_218] : memref<512x64xf32, #tpu.memory_space<vmem>> -> memref<128x64xf32, #tpu.memory_space<vmem>>
      %dma_start3A_220 = arith.constant 0 : i32
      %dma_start3A_221 = tpu.memref_slice %arg5[%add3A_216, %dma_start3A_220] : memref<200x128xi32, #tpu.memory_space<vmem>> -> memref<1x128xi32, #tpu.memory_space<vmem>>
      %dma_start3A_222 = tpu.memref_squeeze %dma_start3A_221 : memref<1x128xi32, #tpu.memory_space<vmem>> -> memref<128xi32, #tpu.memory_space<vmem>>
      %dma_start3A_223 = arith.constant 0 : i32
      %dma_start3A_224 = arith.constant 0 : i32
      %dma_start3A_225 = tpu.memref_slice %arg8[%dma_start3A_223, %dma_start3A_224] : memref<102x64xf32, #tpu.memory_space<vmem_shared>> -> memref<102x64xf32, #tpu.memory_space<vmem_shared>>
      tpu.enqueue_indirect_dma source(%dma_start3A_225 : memref<102x64xf32, #tpu.memory_space<vmem_shared>>) target(%dma_start3A_219 : memref<128x64xf32, #tpu.memory_space<vmem>>) offsets(%dma_start3A_222 : memref<128xi32, #tpu.memory_space<vmem>>) semaphore(%arg9 : memref<!tpu.dma_semaphore, #tpu.memory_space<semaphore_mem>>)
      %mul3A_226 = arith.constant 4 : i32
      %mul3A_227 = arith.muli %add3A_204, %mul3A_226 : i32
      %add3A_228 = arith.constant 1 : i32
      %add3A_229 = arith.addi %mul3A_227, %add3A_228 : i32
      %dma_start3A_230 = arith.constant 128 : i32
      %dma_start3A_231 = arith.constant 0 : i32
      %dma_start3A_232 = tpu.memref_slice %arg6[%dma_start3A_230, %dma_start3A_231] : memref<512x64xf32, #tpu.memory_space<vmem>> -> memref<128x64xf32, #tpu.memory_space<vmem>>
      %dma_start3A_233 = arith.constant 0 : i32
      %dma_start3A_234 = tpu.memref_slice %arg5[%add3A_229, %dma_start3A_233] : memref<200x128xi32, #tpu.memory_space<vmem>> -> memref<1x128xi32, #tpu.memory_space<vmem>>
      %dma_start3A_235 = tpu.memref_squeeze %dma_start3A_234 : memref<1x128xi32, #tpu.memory_space<vmem>> -> memref<128xi32, #tpu.memory_space<vmem>>
      %dma_start3A_236 = arith.constant 0 : i32
      %dma_start3A_237 = arith.constant 0 : i32
      %dma_start3A_238 = tpu.memref_slice %arg8[%dma_start3A_236, %dma_start3A_237] : memref<102x64xf32, #tpu.memory_space<vmem_shared>> -> memref<102x64xf32, #tpu.memory_space<vmem_shared>>
      tpu.enqueue_indirect_dma source(%dma_start3A_238 : memref<102x64xf32, #tpu.memory_space<vmem_shared>>) target(%dma_start3A_232 : memref<128x64xf32, #tpu.memory_space<vmem>>) offsets(%dma_start3A_235 : memref<128xi32, #tpu.memory_space<vmem>>) semaphore(%arg9 : memref<!tpu.dma_semaphore, #tpu.memory_space<semaphore_mem>>)
      %mul3A_239 = arith.constant 4 : i32
      %mul3A_240 = arith.muli %add3A_204, %mul3A_239 : i32
      %add3A_241 = arith.constant 2 : i32
      %add3A_242 = arith.addi %mul3A_240, %add3A_241 : i32
      %dma_start3A_243 = arith.constant 256 : i32
      %dma_start3A_244 = arith.constant 0 : i32
      %dma_start3A_245 = tpu.memref_slice %arg6[%dma_start3A_243, %dma_start3A_244] : memref<512x64xf32, #tpu.memory_space<vmem>> -> memref<128x64xf32, #tpu.memory_space<vmem>>
      %dma_start3A_246 = arith.constant 0 : i32
      %dma_start3A_247 = tpu.memref_slice %arg5[%add3A_242, %dma_start3A_246] : memref<200x128xi32, #tpu.memory_space<vmem>> -> memref<1x128xi32, #tpu.memory_space<vmem>>
      %dma_start3A_248 = tpu.memref_squeeze %dma_start3A_247 : memref<1x128xi32, #tpu.memory_space<vmem>> -> memref<128xi32, #tpu.memory_space<vmem>>
      %dma_start3A_249 = arith.constant 0 : i32
      %dma_start3A_250 = arith.constant 0 : i32
      %dma_start3A_251 = tpu.memref_slice %arg8[%dma_start3A_249, %dma_start3A_250] : memref<102x64xf32, #tpu.memory_space<vmem_shared>> -> memref<102x64xf32, #tpu.memory_space<vmem_shared>>
      tpu.enqueue_indirect_dma source(%dma_start3A_251 : memref<102x64xf32, #tpu.memory_space<vmem_shared>>) target(%dma_start3A_245 : memref<128x64xf32, #tpu.memory_space<vmem>>) offsets(%dma_start3A_248 : memref<128xi32, #tpu.memory_space<vmem>>) semaphore(%arg9 : memref<!tpu.dma_semaphore, #tpu.memory_space<semaphore_mem>>)
      %mul3A_252 = arith.constant 4 : i32
      %mul3A_253 = arith.muli %add3A_204, %mul3A_252 : i32
      %add3A_254 = arith.constant 3 : i32
      %add3A_255 = arith.addi %mul3A_253, %add3A_254 : i32
      %dma_start3A_256 = arith.constant 384 : i32
      %dma_start3A_257 = arith.constant 0 : i32
      %dma_start3A_258 = tpu.memref_slice %arg6[%dma_start3A_256, %dma_start3A_257] : memref<512x64xf32, #tpu.memory_space<vmem>> -> memref<128x64xf32, #tpu.memory_space<vmem>>
      %dma_start3A_259 = arith.constant 0 : i32
      %dma_start3A_260 = tpu.memref_slice %arg5[%add3A_255, %dma_start3A_259] : memref<200x128xi32, #tpu.memory_space<vmem>> -> memref<1x128xi32, #tpu.memory_space<vmem>>
      %dma_start3A_261 = tpu.memref_squeeze %dma_start3A_260 : memref<1x128xi32, #tpu.memory_space<vmem>> -> memref<128xi32, #tpu.memory_space<vmem>>
      %dma_start3A_262 = arith.constant 0 : i32
      %dma_start3A_263 = arith.constant 0 : i32
      %dma_start3A_264 = tpu.memref_slice %arg8[%dma_start3A_262, %dma_start3A_263] : memref<102x64xf32, #tpu.memory_space<vmem_shared>> -> memref<102x64xf32, #tpu.memory_space<vmem_shared>>
      tpu.enqueue_indirect_dma source(%dma_start3A_264 : memref<102x64xf32, #tpu.memory_space<vmem_shared>>) target(%dma_start3A_258 : memref<128x64xf32, #tpu.memory_space<vmem>>) offsets(%dma_start3A_261 : memref<128xi32, #tpu.memory_space<vmem>>) semaphore(%arg9 : memref<!tpu.dma_semaphore, #tpu.memory_space<semaphore_mem>>)
      %dma_wait3A_265 = arith.constant 0 : i32
      %dma_wait3A_266 = arith.constant 0 : i32
      %dma_wait3A_267 = tpu.memref_slice %arg6[%dma_wait3A_265, %dma_wait3A_266] : memref<512x64xf32, #tpu.memory_space<vmem>> -> memref<128x64xf32, #tpu.memory_space<vmem>>
      %dma_wait3A_268 = arith.constant 0 : i32
      %dma_wait3A_269 = tpu.memref_slice %arg5[%add3A_216, %dma_wait3A_268] : memref<200x128xi32, #tpu.memory_space<vmem>> -> memref<1x128xi32, #tpu.memory_space<vmem>>
      %dma_wait3A_270 = tpu.memref_squeeze %dma_wait3A_269 : memref<1x128xi32, #tpu.memory_space<vmem>> -> memref<128xi32, #tpu.memory_space<vmem>>
      %dma_wait3A_271 = arith.constant 0 : i32
      %dma_wait3A_272 = arith.constant 0 : i32
      %dma_wait3A_273 = tpu.memref_slice %arg8[%dma_wait3A_271, %dma_wait3A_272] : memref<102x64xf32, #tpu.memory_space<vmem_shared>> -> memref<102x64xf32, #tpu.memory_space<vmem_shared>>
      tpu.wait_indirect_dma semaphore(%arg9 : memref<!tpu.dma_semaphore, #tpu.memory_space<semaphore_mem>>) src(%dma_wait3A_273 : memref<102x64xf32, #tpu.memory_space<vmem_shared>>) dst(%dma_wait3A_267 : memref<128x64xf32, #tpu.memory_space<vmem>>)
      %dma_wait3A_274 = arith.constant 128 : i32
      %dma_wait3A_275 = arith.constant 0 : i32
      %dma_wait3A_276 = tpu.memref_slice %arg6[%dma_wait3A_274, %dma_wait3A_275] : memref<512x64xf32, #tpu.memory_space<vmem>> -> memref<128x64xf32, #tpu.memory_space<vmem>>
      %dma_wait3A_277 = arith.constant 0 : i32
      %dma_wait3A_278 = tpu.memref_slice %arg5[%add3A_229, %dma_wait3A_277] : memref<200x128xi32, #tpu.memory_space<vmem>> -> memref<1x128xi32, #tpu.memory_space<vmem>>
      %dma_wait3A_279 = tpu.memref_squeeze %dma_wait3A_278 : memref<1x128xi32, #tpu.memory_space<vmem>> -> memref<128xi32, #tpu.memory_space<vmem>>
      %dma_wait3A_280 = arith.constant 0 : i32
      %dma_wait3A_281 = arith.constant 0 : i32
      %dma_wait3A_282 = tpu.memref_slice %arg8[%dma_wait3A_280, %dma_wait3A_281] : memref<102x64xf32, #tpu.memory_space<vmem_shared>> -> memref<102x64xf32, #tpu.memory_space<vmem_shared>>
      tpu.wait_indirect_dma semaphore(%arg9 : memref<!tpu.dma_semaphore, #tpu.memory_space<semaphore_mem>>) src(%dma_wait3A_282 : memref<102x64xf32, #tpu.memory_space<vmem_shared>>) dst(%dma_wait3A_276 : memref<128x64xf32, #tpu.memory_space<vmem>>)
      %dma_wait3A_283 = arith.constant 256 : i32
      %dma_wait3A_284 = arith.constant 0 : i32
      %dma_wait3A_285 = tpu.memref_slice %arg6[%dma_wait3A_283, %dma_wait3A_284] : memref<512x64xf32, #tpu.memory_space<vmem>> -> memref<128x64xf32, #tpu.memory_space<vmem>>
      %dma_wait3A_286 = arith.constant 0 : i32
      %dma_wait3A_287 = tpu.memref_slice %arg5[%add3A_242, %dma_wait3A_286] : memref<200x128xi32, #tpu.memory_space<vmem>> -> memref<1x128xi32, #tpu.memory_space<vmem>>
      %dma_wait3A_288 = tpu.memref_squeeze %dma_wait3A_287 : memref<1x128xi32, #tpu.memory_space<vmem>> -> memref<128xi32, #tpu.memory_space<vmem>>
      %dma_wait3A_289 = arith.constant 0 : i32
      %dma_wait3A_290 = arith.constant 0 : i32
      %dma_wait3A_291 = tpu.memref_slice %arg8[%dma_wait3A_289, %dma_wait3A_290] : memref<102x64xf32, #tpu.memory_space<vmem_shared>> -> memref<102x64xf32, #tpu.memory_space<vmem_shared>>
      tpu.wait_indirect_dma semaphore(%arg9 : memref<!tpu.dma_semaphore, #tpu.memory_space<semaphore_mem>>) src(%dma_wait3A_291 : memref<102x64xf32, #tpu.memory_space<vmem_shared>>) dst(%dma_wait3A_285 : memref<128x64xf32, #tpu.memory_space<vmem>>)
      %dma_wait3A_292 = arith.constant 384 : i32
      %dma_wait3A_293 = arith.constant 0 : i32
      %dma_wait3A_294 = tpu.memref_slice %arg6[%dma_wait3A_292, %dma_wait3A_293] : memref<512x64xf32, #tpu.memory_space<vmem>> -> memref<128x64xf32, #tpu.memory_space<vmem>>
      %dma_wait3A_295 = arith.constant 0 : i32
      %dma_wait3A_296 = tpu.memref_slice %arg5[%add3A_255, %dma_wait3A_295] : memref<200x128xi32, #tpu.memory_space<vmem>> -> memref<1x128xi32, #tpu.memory_space<vmem>>
      %dma_wait3A_297 = tpu.memref_squeeze %dma_wait3A_296 : memref<1x128xi32, #tpu.memory_space<vmem>> -> memref<128xi32, #tpu.memory_space<vmem>>
      %dma_wait3A_298 = arith.constant 0 : i32
      %dma_wait3A_299 = arith.constant 0 : i32
      %dma_wait3A_300 = tpu.memref_slice %arg8[%dma_wait3A_298, %dma_wait3A_299] : memref<102x64xf32, #tpu.memory_space<vmem_shared>> -> memref<102x64xf32, #tpu.memory_space<vmem_shared>>
      tpu.wait_indirect_dma semaphore(%arg9 : memref<!tpu.dma_semaphore, #tpu.memory_space<semaphore_mem>>) src(%dma_wait3A_300 : memref<102x64xf32, #tpu.memory_space<vmem_shared>>) dst(%dma_wait3A_294 : memref<128x64xf32, #tpu.memory_space<vmem>>)
      %mul3A_301 = arith.constant 512 : i32
      %mul3A_302 = arith.muli %add3A_204, %mul3A_301 : i32
      %add3A_303 = arith.addi %mul3A_4, %mul3A_302 : i32
      %dma_start3A_304 = arith.constant 0 : i32
      %dma_start3A_305 = tpu.memref_slice %arg4[%add3A_303, %dma_start3A_304] : memref<819200x64xf32, #tpu.memory_space<hbm>> -> memref<512x64xf32, #tpu.memory_space<hbm>>
      %dma_start3A_306 = arith.constant 0 : i32
      %dma_start3A_307 = tpu.memref_slice %arg4[%add3A_303, %dma_start3A_306] : memref<819200x64xf32, #tpu.memory_space<hbm>> -> memref<512x64xf32, #tpu.memory_space<hbm>>
      tpu.enqueue_dma source(%arg6 : memref<512x64xf32, #tpu.memory_space<vmem>>) target(%dma_start3A_307 : memref<512x64xf32, #tpu.memory_space<hbm>>) target_semaphore(%arg10 : memref<!tpu.dma_semaphore, #tpu.memory_space<semaphore_mem>>)
      %mul3A_308 = arith.constant 2 : i32
      %mul3A_309 = arith.muli %mul3A_308, %scan3A_200 : i32
      %add3A_310 = arith.constant 1 : i32
      %add3A_311 = arith.addi %mul3A_309, %add3A_310 : i32
      %sub3A_312 = arith.constant 2 : i32
      %sub3A_313 = arith.subi %add3A_311, %sub3A_312 : i32
      %mul3A_314 = arith.constant 512 : i32
      %mul3A_315 = arith.muli %sub3A_313, %mul3A_314 : i32
      %add3A_316 = arith.addi %mul3A_4, %mul3A_315 : i32
      %dma_wait3A_317 = arith.constant 0 : i32
      %dma_wait3A_318 = tpu.memref_slice %arg4[%add3A_316, %dma_wait3A_317] : memref<819200x64xf32, #tpu.memory_space<hbm>> -> memref<512x64xf32, #tpu.memory_space<hbm>>
      %dma_wait3A_319 = arith.constant 0 : i32
      %dma_wait3A_320 = tpu.memref_slice %arg4[%add3A_316, %dma_wait3A_319] : memref<819200x64xf32, #tpu.memory_space<hbm>> -> memref<512x64xf32, #tpu.memory_space<hbm>>
      tpu.wait_dma2 semaphore(%arg11 : memref<!tpu.dma_semaphore, #tpu.memory_space<semaphore_mem>>) src(%arg7 : memref<512x64xf32, #tpu.memory_space<vmem>>) dst(%dma_wait3A_320 : memref<512x64xf32, #tpu.memory_space<hbm>>)
      %mul3A_321 = arith.constant 4 : i32
      %mul3A_322 = arith.muli %add3A_311, %mul3A_321 : i32
      %add3A_323 = arith.constant 0 : i32
      %add3A_324 = arith.addi %mul3A_322, %add3A_323 : i32
      %dma_start3A_325 = arith.constant 0 : i32
      %dma_start3A_326 = arith.constant 0 : i32
      %dma_start3A_327 = tpu.memref_slice %arg7[%dma_start3A_325, %dma_start3A_326] : memref<512x64xf32, #tpu.memory_space<vmem>> -> memref<128x64xf32, #tpu.memory_space<vmem>>
      %dma_start3A_328 = arith.constant 0 : i32
      %dma_start3A_329 = tpu.memref_slice %arg5[%add3A_324, %dma_start3A_328] : memref<200x128xi32, #tpu.memory_space<vmem>> -> memref<1x128xi32, #tpu.memory_space<vmem>>
      %dma_start3A_330 = tpu.memref_squeeze %dma_start3A_329 : memref<1x128xi32, #tpu.memory_space<vmem>> -> memref<128xi32, #tpu.memory_space<vmem>>
      %dma_start3A_331 = arith.constant 0 : i32
      %dma_start3A_332 = arith.constant 0 : i32
      %dma_start3A_333 = tpu.memref_slice %arg8[%dma_start3A_331, %dma_start3A_332] : memref<102x64xf32, #tpu.memory_space<vmem_shared>> -> memref<102x64xf32, #tpu.memory_space<vmem_shared>>
      tpu.enqueue_indirect_dma source(%dma_start3A_333 : memref<102x64xf32, #tpu.memory_space<vmem_shared>>) target(%dma_start3A_327 : memref<128x64xf32, #tpu.memory_space<vmem>>) offsets(%dma_start3A_330 : memref<128xi32, #tpu.memory_space<vmem>>) semaphore(%arg9 : memref<!tpu.dma_semaphore, #tpu.memory_space<semaphore_mem>>)
      %mul3A_334 = arith.constant 4 : i32
      %mul3A_335 = arith.muli %add3A_311, %mul3A_334 : i32
      %add3A_336 = arith.constant 1 : i32
      %add3A_337 = arith.addi %mul3A_335, %add3A_336 : i32
      %dma_start3A_338 = arith.constant 128 : i32
      %dma_start3A_339 = arith.constant 0 : i32
      %dma_start3A_340 = tpu.memref_slice %arg7[%dma_start3A_338, %dma_start3A_339] : memref<512x64xf32, #tpu.memory_space<vmem>> -> memref<128x64xf32, #tpu.memory_space<vmem>>
      %dma_start3A_341 = arith.constant 0 : i32
      %dma_start3A_342 = tpu.memref_slice %arg5[%add3A_337, %dma_start3A_341] : memref<200x128xi32, #tpu.memory_space<vmem>> -> memref<1x128xi32, #tpu.memory_space<vmem>>
      %dma_start3A_343 = tpu.memref_squeeze %dma_start3A_342 : memref<1x128xi32, #tpu.memory_space<vmem>> -> memref<128xi32, #tpu.memory_space<vmem>>
      %dma_start3A_344 = arith.constant 0 : i32
      %dma_start3A_345 = arith.constant 0 : i32
      %dma_start3A_346 = tpu.memref_slice %arg8[%dma_start3A_344, %dma_start3A_345] : memref<102x64xf32, #tpu.memory_space<vmem_shared>> -> memref<102x64xf32, #tpu.memory_space<vmem_shared>>
      tpu.enqueue_indirect_dma source(%dma_start3A_346 : memref<102x64xf32, #tpu.memory_space<vmem_shared>>) target(%dma_start3A_340 : memref<128x64xf32, #tpu.memory_space<vmem>>) offsets(%dma_start3A_343 : memref<128xi32, #tpu.memory_space<vmem>>) semaphore(%arg9 : memref<!tpu.dma_semaphore, #tpu.memory_space<semaphore_mem>>)
      %mul3A_347 = arith.constant 4 : i32
      %mul3A_348 = arith.muli %add3A_311, %mul3A_347 : i32
      %add3A_349 = arith.constant 2 : i32
      %add3A_350 = arith.addi %mul3A_348, %add3A_349 : i32
      %dma_start3A_351 = arith.constant 256 : i32
      %dma_start3A_352 = arith.constant 0 : i32
      %dma_start3A_353 = tpu.memref_slice %arg7[%dma_start3A_351, %dma_start3A_352] : memref<512x64xf32, #tpu.memory_space<vmem>> -> memref<128x64xf32, #tpu.memory_space<vmem>>
      %dma_start3A_354 = arith.constant 0 : i32
      %dma_start3A_355 = tpu.memref_slice %arg5[%add3A_350, %dma_start3A_354] : memref<200x128xi32, #tpu.memory_space<vmem>> -> memref<1x128xi32, #tpu.memory_space<vmem>>
      %dma_start3A_356 = tpu.memref_squeeze %dma_start3A_355 : memref<1x128xi32, #tpu.memory_space<vmem>> -> memref<128xi32, #tpu.memory_space<vmem>>
      %dma_start3A_357 = arith.constant 0 : i32
      %dma_start3A_358 = arith.constant 0 : i32
      %dma_start3A_359 = tpu.memref_slice %arg8[%dma_start3A_357, %dma_start3A_358] : memref<102x64xf32, #tpu.memory_space<vmem_shared>> -> memref<102x64xf32, #tpu.memory_space<vmem_shared>>
      tpu.enqueue_indirect_dma source(%dma_start3A_359 : memref<102x64xf32, #tpu.memory_space<vmem_shared>>) target(%dma_start3A_353 : memref<128x64xf32, #tpu.memory_space<vmem>>) offsets(%dma_start3A_356 : memref<128xi32, #tpu.memory_space<vmem>>) semaphore(%arg9 : memref<!tpu.dma_semaphore, #tpu.memory_space<semaphore_mem>>)
      %mul3A_360 = arith.constant 4 : i32
      %mul3A_361 = arith.muli %add3A_311, %mul3A_360 : i32
      %add3A_362 = arith.constant 3 : i32
      %add3A_363 = arith.addi %mul3A_361, %add3A_362 : i32
      %dma_start3A_364 = arith.constant 384 : i32
      %dma_start3A_365 = arith.constant 0 : i32
      %dma_start3A_366 = tpu.memref_slice %arg7[%dma_start3A_364, %dma_start3A_365] : memref<512x64xf32, #tpu.memory_space<vmem>> -> memref<128x64xf32, #tpu.memory_space<vmem>>
      %dma_start3A_367 = arith.constant 0 : i32
      %dma_start3A_368 = tpu.memref_slice %arg5[%add3A_363, %dma_start3A_367] : memref<200x128xi32, #tpu.memory_space<vmem>> -> memref<1x128xi32, #tpu.memory_space<vmem>>
      %dma_start3A_369 = tpu.memref_squeeze %dma_start3A_368 : memref<1x128xi32, #tpu.memory_space<vmem>> -> memref<128xi32, #tpu.memory_space<vmem>>
      %dma_start3A_370 = arith.constant 0 : i32
      %dma_start3A_371 = arith.constant 0 : i32
      %dma_start3A_372 = tpu.memref_slice %arg8[%dma_start3A_370, %dma_start3A_371] : memref<102x64xf32, #tpu.memory_space<vmem_shared>> -> memref<102x64xf32, #tpu.memory_space<vmem_shared>>
      tpu.enqueue_indirect_dma source(%dma_start3A_372 : memref<102x64xf32, #tpu.memory_space<vmem_shared>>) target(%dma_start3A_366 : memref<128x64xf32, #tpu.memory_space<vmem>>) offsets(%dma_start3A_369 : memref<128xi32, #tpu.memory_space<vmem>>) semaphore(%arg9 : memref<!tpu.dma_semaphore, #tpu.memory_space<semaphore_mem>>)
      %dma_wait3A_373 = arith.constant 0 : i32
      %dma_wait3A_374 = arith.constant 0 : i32
      %dma_wait3A_375 = tpu.memref_slice %arg7[%dma_wait3A_373, %dma_wait3A_374] : memref<512x64xf32, #tpu.memory_space<vmem>> -> memref<128x64xf32, #tpu.memory_space<vmem>>
      %dma_wait3A_376 = arith.constant 0 : i32
      %dma_wait3A_377 = tpu.memref_slice %arg5[%add3A_324, %dma_wait3A_376] : memref<200x128xi32, #tpu.memory_space<vmem>> -> memref<1x128xi32, #tpu.memory_space<vmem>>
      %dma_wait3A_378 = tpu.memref_squeeze %dma_wait3A_377 : memref<1x128xi32, #tpu.memory_space<vmem>> -> memref<128xi32, #tpu.memory_space<vmem>>
      %dma_wait3A_379 = arith.constant 0 : i32
      %dma_wait3A_380 = arith.constant 0 : i32
      %dma_wait3A_381 = tpu.memref_slice %arg8[%dma_wait3A_379, %dma_wait3A_380] : memref<102x64xf32, #tpu.memory_space<vmem_shared>> -> memref<102x64xf32, #tpu.memory_space<vmem_shared>>
      tpu.wait_indirect_dma semaphore(%arg9 : memref<!tpu.dma_semaphore, #tpu.memory_space<semaphore_mem>>) src(%dma_wait3A_381 : memref<102x64xf32, #tpu.memory_space<vmem_shared>>) dst(%dma_wait3A_375 : memref<128x64xf32, #tpu.memory_space<vmem>>)
      %dma_wait3A_382 = arith.constant 128 : i32
      %dma_wait3A_383 = arith.constant 0 : i32
      %dma_wait3A_384 = tpu.memref_slice %arg7[%dma_wait3A_382, %dma_wait3A_383] : memref<512x64xf32, #tpu.memory_space<vmem>> -> memref<128x64xf32, #tpu.memory_space<vmem>>
      %dma_wait3A_385 = arith.constant 0 : i32
      %dma_wait3A_386 = tpu.memref_slice %arg5[%add3A_337, %dma_wait3A_385] : memref<200x128xi32, #tpu.memory_space<vmem>> -> memref<1x128xi32, #tpu.memory_space<vmem>>
      %dma_wait3A_387 = tpu.memref_squeeze %dma_wait3A_386 : memref<1x128xi32, #tpu.memory_space<vmem>> -> memref<128xi32, #tpu.memory_space<vmem>>
      %dma_wait3A_388 = arith.constant 0 : i32
      %dma_wait3A_389 = arith.constant 0 : i32
      %dma_wait3A_390 = tpu.memref_slice %arg8[%dma_wait3A_388, %dma_wait3A_389] : memref<102x64xf32, #tpu.memory_space<vmem_shared>> -> memref<102x64xf32, #tpu.memory_space<vmem_shared>>
      tpu.wait_indirect_dma semaphore(%arg9 : memref<!tpu.dma_semaphore, #tpu.memory_space<semaphore_mem>>) src(%dma_wait3A_390 : memref<102x64xf32, #tpu.memory_space<vmem_shared>>) dst(%dma_wait3A_384 : memref<128x64xf32, #tpu.memory_space<vmem>>)
      %dma_wait3A_391 = arith.constant 256 : i32
      %dma_wait3A_392 = arith.constant 0 : i32
      %dma_wait3A_393 = tpu.memref_slice %arg7[%dma_wait3A_391, %dma_wait3A_392] : memref<512x64xf32, #tpu.memory_space<vmem>> -> memref<128x64xf32, #tpu.memory_space<vmem>>
      %dma_wait3A_394 = arith.constant 0 : i32
      %dma_wait3A_395 = tpu.memref_slice %arg5[%add3A_350, %dma_wait3A_394] : memref<200x128xi32, #tpu.memory_space<vmem>> -> memref<1x128xi32, #tpu.memory_space<vmem>>
      %dma_wait3A_396 = tpu.memref_squeeze %dma_wait3A_395 : memref<1x128xi32, #tpu.memory_space<vmem>> -> memref<128xi32, #tpu.memory_space<vmem>>
      %dma_wait3A_397 = arith.constant 0 : i32
      %dma_wait3A_398 = arith.constant 0 : i32
      %dma_wait3A_399 = tpu.memref_slice %arg8[%dma_wait3A_397, %dma_wait3A_398] : memref<102x64xf32, #tpu.memory_space<vmem_shared>> -> memref<102x64xf32, #tpu.memory_space<vmem_shared>>
      tpu.wait_indirect_dma semaphore(%arg9 : memref<!tpu.dma_semaphore, #tpu.memory_space<semaphore_mem>>) src(%dma_wait3A_399 : memref<102x64xf32, #tpu.memory_space<vmem_shared>>) dst(%dma_wait3A_393 : memref<128x64xf32, #tpu.memory_space<vmem>>)
      %dma_wait3A_400 = arith.constant 384 : i32
      %dma_wait3A_401 = arith.constant 0 : i32
      %dma_wait3A_402 = tpu.memref_slice %arg7[%dma_wait3A_400, %dma_wait3A_401] : memref<512x64xf32, #tpu.memory_space<vmem>> -> memref<128x64xf32, #tpu.memory_space<vmem>>
      %dma_wait3A_403 = arith.constant 0 : i32
      %dma_wait3A_404 = tpu.memref_slice %arg5[%add3A_363, %dma_wait3A_403] : memref<200x128xi32, #tpu.memory_space<vmem>> -> memref<1x128xi32, #tpu.memory_space<vmem>>
      %dma_wait3A_405 = tpu.memref_squeeze %dma_wait3A_404 : memref<1x128xi32, #tpu.memory_space<vmem>> -> memref<128xi32, #tpu.memory_space<vmem>>
      %dma_wait3A_406 = arith.constant 0 : i32
      %dma_wait3A_407 = arith.constant 0 : i32
      %dma_wait3A_408 = tpu.memref_slice %arg8[%dma_wait3A_406, %dma_wait3A_407] : memref<102x64xf32, #tpu.memory_space<vmem_shared>> -> memref<102x64xf32, #tpu.memory_space<vmem_shared>>
      tpu.wait_indirect_dma semaphore(%arg9 : memref<!tpu.dma_semaphore, #tpu.memory_space<semaphore_mem>>) src(%dma_wait3A_408 : memref<102x64xf32, #tpu.memory_space<vmem_shared>>) dst(%dma_wait3A_402 : memref<128x64xf32, #tpu.memory_space<vmem>>)
      %mul3A_409 = arith.constant 512 : i32
      %mul3A_410 = arith.muli %add3A_311, %mul3A_409 : i32
      %add3A_411 = arith.addi %mul3A_4, %mul3A_410 : i32
      %dma_start3A_412 = arith.constant 0 : i32
      %dma_start3A_413 = tpu.memref_slice %arg4[%add3A_411, %dma_start3A_412] : memref<819200x64xf32, #tpu.memory_space<hbm>> -> memref<512x64xf32, #tpu.memory_space<hbm>>
      %dma_start3A_414 = arith.constant 0 : i32
      %dma_start3A_415 = tpu.memref_slice %arg4[%add3A_411, %dma_start3A_414] : memref<819200x64xf32, #tpu.memory_space<hbm>> -> memref<512x64xf32, #tpu.memory_space<hbm>>
      tpu.enqueue_dma source(%arg7 : memref<512x64xf32, #tpu.memory_space<vmem>>) target(%dma_start3A_415 : memref<512x64xf32, #tpu.memory_space<hbm>>) target_semaphore(%arg11 : memref<!tpu.dma_semaphore, #tpu.memory_space<semaphore_mem>>)
    }
    %scan3A_187 = arith.constant 24 : i32
    %add3A_188 = arith.constant 24576 : i32
    %add3A_189 = arith.addi %mul3A_4, %add3A_188 : i32
    %dma_wait3A_190 = arith.constant 0 : i32
    %dma_wait3A_191 = tpu.memref_slice %arg4[%add3A_189, %dma_wait3A_190] : memref<819200x64xf32, #tpu.memory_space<hbm>> -> memref<512x64xf32, #tpu.memory_space<hbm>>
    %dma_wait3A_192 = arith.constant 0 : i32
    %dma_wait3A_193 = tpu.memref_slice %arg4[%add3A_189, %dma_wait3A_192] : memref<819200x64xf32, #tpu.memory_space<hbm>> -> memref<512x64xf32, #tpu.memory_space<hbm>>
    tpu.wait_dma2 semaphore(%arg10 : memref<!tpu.dma_semaphore, #tpu.memory_space<semaphore_mem>>) src(%arg6 : memref<512x64xf32, #tpu.memory_space<vmem>>) dst(%dma_wait3A_193 : memref<512x64xf32, #tpu.memory_space<hbm>>)
    %add3A_194 = arith.constant 25088 : i32
    %add3A_195 = arith.addi %mul3A_4, %add3A_194 : i32
    %dma_wait3A_196 = arith.constant 0 : i32
    %dma_wait3A_197 = tpu.memref_slice %arg4[%add3A_195, %dma_wait3A_196] : memref<819200x64xf32, #tpu.memory_space<hbm>> -> memref<512x64xf32, #tpu.memory_space<hbm>>
    %dma_wait3A_198 = arith.constant 0 : i32
    %dma_wait3A_199 = tpu.memref_slice %arg4[%add3A_195, %dma_wait3A_198] : memref<819200x64xf32, #tpu.memory_space<hbm>> -> memref<512x64xf32, #tpu.memory_space<hbm>>
    tpu.wait_dma2 semaphore(%arg11 : memref<!tpu.dma_semaphore, #tpu.memory_space<semaphore_mem>>) src(%arg7 : memref<512x64xf32, #tpu.memory_space<vmem>>) dst(%dma_wait3A_199 : memref<512x64xf32, #tpu.memory_space<hbm>>)
    return
  }
}

</mosaic_0001>

<sc_bundles>
// kernel: kernel.3.cloned.1.call-start
scs
__scs_entry_jumppad:
0x0: {  	(pc) =	sbr.rel $0x88, $3  }
0x1: {  	(tag) =	ssettag $0x0;
	lr =	simm.s32 $0x1  }
0x2: {  	[smem:$0x3F9F] =	sst lr;
	_ =	strace $0xD0000000  }
0x3: {  	_ = 	snop  }
0x4: {  	_ = 	snop  }
0x5: {  	_ = 	snop  }
0x6: {  	_ = 	snop  }
0x7: {  	_ = 	snop  }
__scs_overlays_trampoline_lowered:
0x8: {  	[smem:$0x3FAE] =	sst s0  }
0x9: {  	[smem:$0x3FAF] =	sst s1  }
0xa: {  	[smem:$0x3FB0] =	sst s2  }
0xb: {  	[smem:$0x3FB1] =	sst s3  }
0xc: {  	[smem:$0x3FB2] =	sst s4  }
0xd: {  	[smem:$0x3FB3] =	sst s5  }
0xe: {  	[smem:$0x3FB4] =	sst s6  }
0xf: {  	[smem:$0x3FB5] =	sst s7  }
0x10: {  	[smem:$0x3FB6] =	sst s8  }
0x11: {  	[smem:$0x3FB7] =	sst s9;
	s0 =	simm.s32 @!p0 $0x0  }
0x12: {  	s1 =	sld [smem:$0x3F9D];
	s0 =	simm.s32 @p0 $0x1  }
0x13: {  	[smem:$0x3FB8] =	sst s0;
	s0 =	simm.s32 @!p1 $0x0  }
0x14: {  	s2 =	sld [smem:$0x3F9C];
	s0 =	simm.s32 @p1 $0x1  }
0x15: {  	[smem:$0x3FB9] =	sst s0;
	s0 =	simm.s32 @!p2 $0x0  }
0x16: {  	s3 =	sld [smem:$0x3FDB];
	s0 =	simm.s32 @p2 $0x1  }
0x17: {  	s4 =	simm.s32 $0x1BF5;
	[smem:$0x3FBB] =	sst s0  }
0x18: {  	s0 =	sld [smem:$0x3F9E];
	_ =	swait.ge [sflag:s4], $0x0  }
0x19: {  	s7 =	sld [smem:$0x3F9F]  }
0x1a: {  	s8 =	sadd.s32 $0xFFFFE003, lr  }
0x1b: {  	s9 =	sadd.s32 $0xFFFFFEF7, lr;
	s5 =	simm.s32 $0xFFFFFFFF;
	p2 =	slt.u32 s8, $0xFFFFF086  }
0x1c: {  	p1 =	slt.u32 s9, $0xF7A;
	s5 =	simm.s32 @!p2 $0x0  }
0x1d: {  	s5 =	simm.s32 @p1 $0x1;
	p0 =	seq.s32 s7, s2  }
0x1e: {  	s7 =	smul.u32 @!p0 $0xF7A, s2;
	p2 =	seq.s32 @!p0 s5, $0x0  }
0x1f: {  	s9 =	smul.u32 $0xF7A, s1;
	s8 =	simm.s32 @!p0 $0x1BF5;
	p2 =	por !p2, p0  }
0x20: {  	[sflag:s8] =	ssyncset.s32 @!p0 $0xFFFFF086;
	s6 =	sadd.s32 @!p0 s3, s7;
	s7 =	simm.s32 @!p0 $0x108  }
0x21: {  	s3 =	sadd.s32 s3, s9;
	s6 =	sadd.s32 @!p0 $0x88, s6;
	s7 =	simm.s32 @p2 $0x1082  }
0x22: {  	[simem:s7], [sflag:s8] =	dma.local @!p0 [hbm:s6], $0xF7A  }
0x23: {  	s9 =	sor.u32 $0xD0000000, s2;
	s6 =	simm.s32 $0x108;
	_ =	swait.ge @!p0 [sflag:s8], $0x0  }
0x24: {  	s3 =	sadd.s32 $0x88, s3;
	s6 =	simm.s32 @!p1 $0x1082;
	[sflag:s4] =	ssyncset.s32 $0xFFFFF086  }
0x25: {  	[simem:s6], [sflag:s4] =	dma.local [hbm:s3], $0xF7A  }
0x26: {  	[smem:$0x3F9F] =	sst s1;
	(tag) =	ssettag s2;
	_ =	strace s9  }
0x27: {  	s1 =	sld [smem:$0x3FAF]  }
0x28: {  	s2 =	sld [smem:$0x3FB0]  }
0x29: {  	s4 =	sld [smem:$0x3FB2]  }
0x2a: {  	p0 =	seq.s32 s5, $0x0;
	s5 =	sld [smem:$0x3FB3]  }
0x2b: {  	s6 =	sld [smem:$0x3FB4]  }
0x2c: {  	s7 =	sld [smem:$0x3FB5]  }
0x2d: {  	s3 =	simm.s32 $0x108;
	s8 =	sld [smem:$0x3FB6]  }
0x2e: {  	s3 =	simm.s32 @!p0 $0x1082;
	s9 =	sld [smem:$0x3FB7]  }
0x2f: {  	lr =	sadd.s32 s0, s3;
	s0 =	sld [smem:$0x3FAE]  }
0x30: {  	s3 =	sld [smem:$0x3FB1]  }
0x31: {  	[smem:$0x3FBA] =	sst s10  }
0x32: {  	s10 =	sld [smem:$0x3FB8];
	_ =	sdelay $0x3  }
0x33: {  	p0 =	seq.s32 s10, $0x1;
	s10 =	sld [smem:$0x3FBA];
	_ =	sdelay $0x3  }
0x34: {  	[smem:$0x3FBA] =	sst s10  }
0x35: {  	s10 =	sld [smem:$0x3FB9];
	_ =	sdelay $0x3  }
0x36: {  	p1 =	seq.s32 s10, $0x1;
	s10 =	sld [smem:$0x3FBA];
	_ =	sdelay $0x3  }
0x37: {  	[smem:$0x3FBA] =	sst s10  }
0x38: {  	s10 =	sld [smem:$0x3FBB]  }
0x39: {  	_ = 	snop;
	(pc) =	sbr.ind lr, $3  }
0x3a: {  	_ = 	snop  }
0x3b: {  	_ = 	snop  }
0x3c: {  	p2 =	seq.s32 s10, $0x1;
	s10 =	sld [smem:$0x3FBA]  }
0x3d: {  	_ =	shalt  }
0x3e: {  	_ =	shalt  }
0x3f: {  	_ =	shalt  }
0x40: {  	_ =	shalt  }
0x41: {  	_ =	shalt  }
0x42: {  	_ =	shalt  }
0x43: {  	_ =	shalt  }
0x44: {  	_ =	shalt  }
0x45: {  	_ =	shalt  }
0x46: {  	_ =	shalt  }
0x47: {  	_ =	shalt  }
0x48: {  	_ =	shalt  }
0x49: {  	_ =	shalt  }
0x4a: {  	_ =	shalt  }
0x4b: {  	_ =	shalt  }
0x4c: {  	_ =	shalt  }
0x4d: {  	_ =	shalt  }
0x4e: {  	_ =	shalt  }
0x4f: {  	_ =	shalt  }
0x50: {  	_ =	shalt  }
0x51: {  	_ =	shalt  }
0x52: {  	_ =	shalt  }
0x53: {  	_ =	shalt  }
0x54: {  	_ =	shalt  }
0x55: {  	_ =	shalt  }
0x56: {  	_ =	shalt  }
0x57: {  	_ =	shalt  }
0x58: {  	_ =	shalt  }
0x59: {  	_ =	shalt  }
0x5a: {  	_ =	shalt  }
0x5b: {  	_ =	shalt  }
0x5c: {  	_ =	shalt  }
0x5d: {  	_ =	shalt  }
0x5e: {  	_ =	shalt  }
0x5f: {  	_ =	shalt  }
0x60: {  	_ =	shalt  }
0x61: {  	_ =	shalt  }
0x62: {  	_ =	shalt  }
0x63: {  	_ =	shalt  }
0x64: {  	_ =	shalt  }
0x65: {  	_ =	shalt  }
0x66: {  	_ =	shalt  }
0x67: {  	_ =	shalt  }
0x68: {  	_ =	shalt  }
0x69: {  	_ =	shalt  }
0x6a: {  	_ =	shalt  }
0x6b: {  	_ =	shalt  }
0x6c: {  	_ =	shalt  }
0x6d: {  	_ =	shalt  }
0x6e: {  	_ =	shalt  }
0x6f: {  	_ =	shalt  }
0x70: {  	_ =	shalt  }
0x71: {  	_ =	shalt  }
0x72: {  	_ =	shalt  }
0x73: {  	_ =	shalt  }
0x74: {  	_ =	shalt  }
0x75: {  	_ =	shalt  }
0x76: {  	_ =	shalt  }
0x77: {  	_ =	shalt  }
0x78: {  	_ =	shalt  }
0x79: {  	_ =	shalt  }
0x7a: {  	_ =	shalt  }
0x7b: {  	_ =	shalt  }
0x7c: {  	_ =	shalt  }
0x7d: {  	_ =	shalt  }
0x7e: {  	_ =	shalt  }
0x7f: {  	_ =	shalt  }
0x80: {  	_ =	shalt  }
0x81: {  	_ =	shalt  }
0x82: {  	_ =	shalt  }
0x83: {  	_ =	shalt  }
0x84: {  	_ =	shalt  }
0x85: {  	_ =	shalt  }
0x86: {  	_ =	shalt  }
0x87: {  	_ =	shalt  }
.Lfunc_end0:
.L_simem_size_0:
called_computation.1_lowered:
.L_overlay_start_0:
0x88: {  	s2 =	sld [smem:$0x3FD9]  }
0x89: {  	s3 =	sld [smem:$0x3FFE];
	_ =	sdelay $0x1  }
0x8a: {  	s1 =	srdreg.scid  }
0x8b: {  	s0 =	sand.u32 $0x1, s1  }
0x8c: {  	s17 =	sshll.u32 s0, $0xA;
	s2 =	sadd.s32 s3, s2  }
0x8d: {  	s2 =	sadd.s32 s2, s17  }
0x8e: {  	[smem:$0x3FC6] =	sst s2  }
0x8f: {  	_ = 	snop  }
0x90: {  	s2 =	sld [smem:$0x3FD0];
	(tm) =	ssettm $0x1  }
0x91: {  	s18 =	sld [smem:$0x3FFB];
	_ =	sdelay $0x3  }
0x92: {  	_ =	strace s18  }
0x93: {  	s3 =	sld [smem:$0x3FFC];
	_ =	sdelay $0x3  }
0x94: {  	_ =	strace s3  }
0x95: {  	s3 =	sld [smem:$0x3FFD];
	_ =	sdelay $0x3  }
0x96: {  	_ =	strace s3  }
0x97: {  	_ =	strace $0x8FFFFFFF  }
0x98: {  	s19 =	sld [smem:$0x3FDB];
	_ =	sdelay $0x1  }
0x99: {  	s4 =	simm.s32 $_scs_section_size  }
0x9a: {  	s5 =	simm.s32 $_size__tile_overlayer_lowered;
	s6 =	simm.s32 $_tile_overlayer_lowered  }
0x9b: {  	s22 =	simm.s32 $0x1BFF;
	s21 =	sshll.u32 s6, $0x1;
	s3 =	sadd.s32 s4, s19  }
0x9c: {  	s7 =	simm.s32 $0x0;
	s20 =	sshll.u32 s5, $0x1;
	s5 =	sadd.s32 s21, s3  }
0x9d: {  	[timem:s7], [sflag:s22] =	dma.local [hbm:s5], s20  }
0x9e: {  	_ =	swait.ge [sflag:s22], s20  }
0x9f: {  	s4 =	ssub.s32 $0x0, s20;
	[sflag:s22] =	ssyncset.done $0x0  }
0xa0: {  	[sflag:s22] =	ssyncadd.s32 s4;
	_ =	sdelay $0x1  }
0xa1: {  	s23 =	simm.s32 $0x1B8B  }
0xa2: {  	_ =	swait.ge [sflag:s23], $0x1  }
0xa3: {  	[sflag:s23] =	ssyncset.done $0x0  }
0xa4: {  	s25 =	simm.s32 $0x1B8E;
	s24 =	sld [smem:$0x3FFE];
	[sflag:s23] =	ssyncadd.s32 $0xFFFFFFFF  }
0xa5: {  	s26 =	simm.s32 $execute0_lowered;
	[smem:$0x3FD2] =	sst s25  }
0xa6: {  	s5 =	sshll.u32 s26, $0x1;
	_ =	strace $0x80000046;
	[dreg:$0x1] =	wrdreg $0xFFFFFFFF  }
0xa7: {  	s28 =	simm.s32 $_size_execute0_lowered;
	s3 =	sadd.s32 s3, s5;
	[dreg:$0x0] =	wrdreg $0x0  }
0xa8: {  	s5 =	sshll.u32 s28, $0x1;
	[dreg:$0x2] =	wrdreg s3  }
0xa9: {  	[dreg:$0x3] =	wrdreg s5  }
0xaa: {  	[dreg:$0x4] =	wrdreg $0xC0  }
0xab: {  	_ =	task [dreg:s7], $0x5FFFF  }
0xac: {  	[dreg:$0x1] =	wrdreg $0xFFFFFFFF  }
0xad: {  	[dreg:$0x0] =	wrdreg $0x60  }
0xae: {  	[dreg:$0x2] =	wrdreg s24  }
0xaf: {  	[dreg:$0x3] =	wrdreg s2  }
0xb0: {  	[dreg:$0x4] =	wrdreg $0x164000  }
0xb1: {  	[dreg:$0x5] =	wrdreg $0x9  }
0xb2: {  	_ =	task.clear_ibuf [dreg:s7], $0x6FFFF;
	_ =	strace $0x90000046  }
0xb3: {  	s29 =	simm.s32 $0x9;
	_ =	strace $0x80000048  }
0xb4: {  	_ =	swait.ge [sflag:s29], $0x1  }
0xb5: {  	[sflag:s29] =	ssyncadd.s32 $0xFFFFFFFF  }
0xb6: {  	_ =	strace $0x90000048  }
0xb7: {  	_ =	sfence  }
0xb8: {  	s30 =	sld [smem:$0x0];
	_ =	sdelay $0x2  }
0xb9: {  	s31 =	sshll.u32 s1, $0xD;
	s1 =	sshrl.u32 s1, $0x2  }
0xba: {  	s3 =	sand.u32 $0x4000, s31;
	s1 =	sadd.s32 s1, s30  }
0xbb: {  	s0 =	sor.u32 s3, s0;
	s1 =	sshll.u32 s1, $0x11  }
0xbc: {  	s0 =	sor.u32 s1, s0  }
0xbd: {  	s0 =	sadd.s32 $0x8F2B, s0  }
0xbe: {  	[sflag:s0] =	ssyncadd.remote.s32 $0x1  }
0xbf: {  	_ =	sfence.sel $0xFFFF  }
0xc0: {  	[dreg:$0x0] =	wrdreg $0xFFFFFFFF;
	(pc) =	sbr.abs _section_cstart, $3  }
0xc1: {  	[dreg:$0x1] =	wrdreg $0xFFFFFFFF  }
0xc2: {  	_ =	task.clear_ibuf [dreg:s7], $0x2FFFF;
	_ =	strace $0x9FFFFFFF  }
0xc3: {  	(tm) =	ssettm $0x7FFFFFFF  }
tec
execute0_lowered:
.L_overlay_start_1:
0x0: {  	(tag) =	ssettag $0x1  }
0x1: {  	s0 =	rddreg [dreg:$0x0]  }
0x2: {  	s2 =	srdreg.scid;
	s10 =	stileid.u32  }
0x3: {  	s1 =	rddreg [dreg:$0x1];
	s13 =	simm.s32 $0x80;
	s14 =	simm.s32 $0x6400  }
0x4: {  	s15 =	simm.s32 $0x8400;
	s17 =	simm.s32 $0xA400;
	s19 =	simm.s32 $0xC400  }
0x5: {  	s20 =	simm.s32 $0x1;
	s22 =	simm.s32 $0xE400;
	s24 =	simm.s32 $0x10400  }
0x6: {  	s29 =	simm.s32 $0x14400;
	s30 =	simm.s32 $0x2;
	s31 =	simm.s32 $0x3  }
0x7: {  	s4 =	sand.u32 $0x1, s2;
	s3 =	sshll.u32 s10, $0x1;
	s2 =	rddreg [dreg:$0x2]  }
0x8: {  	s7 =	smul.u32 $0x320000, s10;
	p0 =	sne.s32 s10, $0x0;
	s5 =	sor.u32 s4, s3  }
0x9: {  	s3 =	simm.s32 $0x0;
	s8 =	ssub.s32 $0x2, s4;
	s9 =	smul.u32 $0x190000, s4  }
0xa: {  	s4 =	sadd.s32 $0x800, s0;
	s6 =	smul.u32 $0xC80, s5;
	[smem:$0x7FF] =	sst s3  }
0xb: {  	s11 =	sshrl.u32 s8, $0x1;
	s12 =	smul.u32 $0x32000, s5;
	_ =	strace $0x80000047  }
0xc: {  	s25 =	ssub.s32 s8, s11;
	s9 =	sadd.s32 s9, s7;
	s11 =	sshrl.u32 @!p0 s2, $0x3  }
0xd: {  	s6 =	sadd.s32 s6, s0;
	s26 =	sadd.s32 $0x18000, s9;
	s8 =	smax.u32 s25, $0x1  }
0xe: {  	s9 =	sadd.s32 $0x10000, s9;
	s0 =	simm.s32 $0x0;
	s5 =	sadd.s32 $0xC00, s6  }
0xf: {  	s6 =	sadd.s32 s1, s12;
	s28 =	sshrl.u32 s26, $0x3;
	s12 =	simm.s32 $0x4  }
0x10: {  	s26 =	simm.s32 $0x12400;
	s7 =	sadd.s32 $0x1000, s6;
	s23 =	sadd.s32 s28, s1  }
.LBB2_1:
0x11: {  	s10 =	simm.s32 @!p0 $0x1C04  }
0x12: {  	[spmem:s11], [sflag:s10] =	dma.local @!p0 [hbm:s4], $0x330  }
0x13: {  	s10 =	simm.s32 @!p0 $0x4  }
0x14: {  	_ =	swait.ge @!p0 [sflag:s10], $0x330  }
0x15: {  	[sflag:s10] =	ssyncset.done @!p0 $0x0  }
0x16: {  	[sflag:s10] =	ssyncadd.s32 @!p0 $0xFFFFFCD0  }
0x17: {  	[tilespmem:s3], [sflag:$0x4] =	stream.linear.gather [hbm4b:s5+s3], $0x6400, $0x38;
	[tilespmem:$0x16598] =	vst v63  }
0x18: {  	_ =	swait.ge [sflag:s12], $0x6400  }
0x19: {  	[sflag:s12] =	ssyncset.done $0x0  }
0x1a: {  	s10 =	simm.s32 $0x0;
	[sflag:s12] =	ssyncadd.s32 $0xFFFF9C00  }
0x1b: {  	v2 =	vld [tilespmem:s10+$0x0]  }
0x1c: {  	v5 =	vld [tilespmem:s10+$0x10]  }
0x1d: {  	v4 =	vld [tilespmem:s10+$0x20]  }
0x1e: {  	v3 =	vld [tilespmem:s10+$0x30]  }
0x1f: {  	v0 =	vld [tilespmem:s10+$0x40]  }
0x20: {  	v1 =	vld [tilespmem:s10+$0x50];
	vm0 =	vlt.s32 v2, $0x64  }
0x21: {  	s16 =	simm.s32 $0x200;
	v6 =	vnsel vm0, $0x64, v2;
	vm0 =	vlt.s32 v5, $0x64;
	v2 =	vld [tilespmem:s10+$0x60]  }
.LBB2_2:
0x22: {  	s18 =	sshra.s32 s16, $0x2;
	p1 =	sne.s32 s16, $0x18E00;
	[tilespmem:s10+$0x0] =	vst v6;
	v5 =	vnsel vm0, $0x64, v5;
	vm0 =	vlt.s32 v4, $0x64;
	v6 =	vld [tilespmem:s10+$0x70]  }
0x23: {  	v7 =	vld [tilespmem:s18+$0x0];
	[tilespmem:s10+$0x10] =	vst v5;
	v4 =	vnsel vm0, $0x64, v4;
	vm0 =	vlt.s32 v3, $0x64  }
0x24: {  	v5 =	vld [tilespmem:s18+$0x10];
	[tilespmem:s10+$0x20] =	vst v4;
	v3 =	vnsel vm0, $0x64, v3;
	vm0 =	vlt.s32 v0, $0x64  }
.Ltmp0:
0x25: {  	v4 =	vld [tilespmem:s18+$0x20];
	[tilespmem:s10+$0x30] =	vst v3;
	v0 =	vnsel vm0, $0x64, v0;
	vm0 =	vlt.s32 v1, $0x64;
	(pc) =	sbr.rel @p1 .LBB2_2-.Ltmp0, $4  }
0x26: {  	v3 =	vld [tilespmem:s18+$0x30];
	[tilespmem:s10+$0x40] =	vst v0;
	v1 =	vnsel vm0, $0x64, v1;
	vm0 =	vlt.s32 v2, $0x64  }
0x27: {  	v0 =	vld [tilespmem:s18+$0x40];
	[tilespmem:s10+$0x50] =	vst v1;
	v2 =	vnsel vm0, $0x64, v2;
	vm0 =	vlt.s32 v6, $0x64  }
0x28: {  	vm1 =	vlt.s32 v7, $0x64;
	v1 =	vld [tilespmem:s18+$0x50];
	[tilespmem:s10+$0x60] =	vst v2;
	v8 =	vnsel vm0, $0x64, v6  }
0x29: {  	s16 =	sadd.s32 $0x200, s16;
	v6 =	vnsel vm1, $0x64, v7;
	vm0 =	vlt.s32 v5, $0x64;
	v2 =	vld [tilespmem:s18+$0x60];
	[tilespmem:s10+$0x70] =	vst v8;
	s10 =	smov.u32 s18  }
0x2a: {  	[tilespmem:s10+$0x0] =	vst v6;
	v5 =	vnsel vm0, $0x64, v5;
	vm10 =	vlt.s32 v4, $0x64;
	v60 =	vld [tilespmem:s10+$0x70]  }
0x2b: {  	[tilespmem:s10+$0x10] =	vst v5;
	v4 =	vnsel vm10, $0x64, v4;
	vm11 =	vlt.s32 v3, $0x64  }
0x2c: {  	[tilespmem:s10+$0x20] =	vst v4;
	v3 =	vnsel vm11, $0x64, v3;
	vm12 =	vlt.s32 v0, $0x64  }
0x2d: {  	[tilespmem:s10+$0x30] =	vst v3;
	v0 =	vnsel vm12, $0x64, v0;
	vm13 =	vlt.s32 v1, $0x64  }
0x2e: {  	[tilespmem:s10+$0x40] =	vst v0;
	v61 =	vnsel vm13, $0x64, v1;
	vm14 =	vlt.s32 v2, $0x64  }
0x2f: {  	[tilespmem:s10+$0x50] =	vst v61;
	v62 =	vnsel vm14, $0x64, v2;
	vm15 =	vlt.s32 v60, $0x64  }
0x30: {  	[tilespmem:s10+$0x60] =	vst v62;
	v63 =	vnsel vm15, $0x64, v60  }
0x31: {  	[tilespmem:s10+$0x70] =	vst v63  }
0x32: {  	s10 =	simm.s32 $0x0;
	[bflag:$0x0] =	sbarrier.arrive $0xFFFF  }
0x33: {  	[tilespmem:s14], [sflag:$0x1] =	stream.indirect.gather [spmem:s2], $0x40, s10, s13, $0xb8;
	[tilespmem:$0x16598] =	vst v63  }
0x34: {  	_ = 	snop  }
0x35: {  	[tilespmem:s15], [sflag:$0x1] =	stream.indirect.gather [spmem:s2], $0x40, s13, s13, $0xb8;
	[tilespmem:$0x16598] =	vst v63  }
0x36: {  	s16 =	simm.s32 $0x100  }
0x37: {  	[tilespmem:s17], [sflag:$0x1] =	stream.indirect.gather [spmem:s2], $0x40, s16, s13, $0xb8;
	[tilespmem:$0x16598] =	vst v63  }
0x38: {  	s28 =	simm.s32 $0x180  }
0x39: {  	[tilespmem:s19], [sflag:$0x1] =	stream.indirect.gather [spmem:s2], $0x40, s28, s13, $0xb8;
	[tilespmem:$0x16598] =	vst v63  }
0x3a: {  	_ =	swait.ge [sflag:s20], $0x2000  }
0x3b: {  	[sflag:s20] =	ssyncset.done $0x0  }
0x3c: {  	[sflag:s20] =	ssyncadd.s32 $0xFFFFE000  }
0x3d: {  	_ =	swait.ge [sflag:s20], $0x2000  }
0x3e: {  	[sflag:s20] =	ssyncset.done $0x0  }
0x3f: {  	[sflag:s20] =	ssyncadd.s32 $0xFFFFE000  }
0x40: {  	_ =	swait.ge [sflag:s20], $0x2000  }
0x41: {  	[sflag:s20] =	ssyncset.done $0x0  }
0x42: {  	[sflag:s20] =	ssyncadd.s32 $0xFFFFE000  }
0x43: {  	_ =	swait.ge [sflag:s20], $0x2000  }
0x44: {  	[sflag:s20] =	ssyncset.done $0x0  }
0x45: {  	[sflag:s20] =	ssyncadd.s32 $0xFFFFE000  }
0x46: {  	[hbm4b:s6+s10] =	stream.linear.scatter [tilespmem:s14], [sflag:$0x2], $0x8000, $0x38;
	[tilespmem:$0x16598] =	vst v63  }
0x47: {  	s18 =	simm.s32 $0x200  }
0x48: {  	[tilespmem:s22], [sflag:$0x1] =	stream.indirect.gather [spmem:s2], $0x40, s18, s13, $0xb8;
	[tilespmem:$0x16598] =	vst v63  }
0x49: {  	s21 =	simm.s32 $0x280  }
0x4a: {  	[tilespmem:s24], [sflag:$0x1] =	stream.indirect.gather [spmem:s2], $0x40, s21, s13, $0xb8;
	[tilespmem:$0x16598] =	vst v63  }
0x4b: {  	s25 =	simm.s32 $0x300  }
0x4c: {  	[tilespmem:s26], [sflag:$0x1] =	stream.indirect.gather [spmem:s2], $0x40, s25, s13, $0xb8;
	[tilespmem:$0x16598] =	vst v63  }
0x4d: {  	s28 =	simm.s32 $0x380  }
0x4e: {  	[tilespmem:s29], [sflag:$0x1] =	stream.indirect.gather [spmem:s2], $0x40, s28, s13, $0xb8;
	[tilespmem:$0x16598] =	vst v63  }
0x4f: {  	_ =	swait.ge [sflag:s20], $0x2000  }
0x50: {  	[sflag:s20] =	ssyncset.done $0x0  }
0x51: {  	[sflag:s20] =	ssyncadd.s32 $0xFFFFE000  }
0x52: {  	_ =	swait.ge [sflag:s20], $0x2000  }
0x53: {  	[sflag:s20] =	ssyncset.done $0x0  }
0x54: {  	[sflag:s20] =	ssyncadd.s32 $0xFFFFE000  }
0x55: {  	_ =	swait.ge [sflag:s20], $0x2000  }
0x56: {  	[sflag:s20] =	ssyncset.done $0x0  }
0x57: {  	[sflag:s20] =	ssyncadd.s32 $0xFFFFE000  }
0x58: {  	_ =	swait.ge [sflag:s20], $0x2000  }
0x59: {  	[sflag:s20] =	ssyncset.done $0x0  }
0x5a: {  	[sflag:s20] =	ssyncadd.s32 $0xFFFFE000  }
0x5b: {  	[hbm4b:s7+s10] =	stream.linear.scatter [tilespmem:s22], [sflag:$0x3], $0x8000, $0x38;
	[tilespmem:$0x16598] =	vst v63  }
0x5c: {  	_ =	swait.ge [sflag:s30], $0x8000  }
0x5d: {  	[sflag:s30] =	ssyncset.done $0x0  }
0x5e: {  	s18 =	simm.s32 $0x400;
	[sflag:s30] =	ssyncadd.s32 $0xFFFF8000  }
0x5f: {  	[tilespmem:s14], [sflag:$0x1] =	stream.indirect.gather [spmem:s2], $0x40, s18, s13, $0xb8;
	[tilespmem:$0x16598] =	vst v63  }
0x60: {  	s21 =	simm.s32 $0x480  }
0x61: {  	[tilespmem:s15], [sflag:$0x1] =	stream.indirect.gather [spmem:s2], $0x40, s21, s13, $0xb8;
	[tilespmem:$0x16598] =	vst v63  }
0x62: {  	s25 =	simm.s32 $0x500  }
0x63: {  	[tilespmem:s17], [sflag:$0x1] =	stream.indirect.gather [spmem:s2], $0x40, s25, s13, $0xb8;
	[tilespmem:$0x16598] =	vst v63  }
0x64: {  	s28 =	simm.s32 $0x580  }
0x65: {  	[tilespmem:s19], [sflag:$0x1] =	stream.indirect.gather [spmem:s2], $0x40, s28, s13, $0xb8;
	[tilespmem:$0x16598] =	vst v63  }
0x66: {  	_ =	swait.ge [sflag:s20], $0x2000  }
0x67: {  	[sflag:s20] =	ssyncset.done $0x0  }
0x68: {  	[sflag:s20] =	ssyncadd.s32 $0xFFFFE000  }
0x69: {  	_ =	swait.ge [sflag:s20], $0x2000  }
0x6a: {  	[sflag:s20] =	ssyncset.done $0x0  }
0x6b: {  	[sflag:s20] =	ssyncadd.s32 $0xFFFFE000  }
0x6c: {  	_ =	swait.ge [sflag:s20], $0x2000  }
0x6d: {  	[sflag:s20] =	ssyncset.done $0x0  }
0x6e: {  	[sflag:s20] =	ssyncadd.s32 $0xFFFFE000  }
0x6f: {  	_ =	swait.ge [sflag:s20], $0x2000  }
0x70: {  	s16 =	sshrl.u32 s9, $0x3;
	[sflag:s20] =	ssyncset.done $0x0  }
0x71: {  	s10 =	sadd.s32 s1, s16;
	[sflag:s20] =	ssyncadd.s32 $0xFFFFE000  }
0x72: {  	[hbm4b:s10+s3] =	stream.linear.scatter [tilespmem:s14], [sflag:$0x2], $0x8000, $0x38;
	[tilespmem:$0x16598] =	vst v63  }
0x73: {  	_ =	swait.ge [sflag:s31], $0x8000  }
0x74: {  	[sflag:s31] =	ssyncset.done $0x0  }
0x75: {  	s18 =	simm.s32 $0x600;
	[sflag:s31] =	ssyncadd.s32 $0xFFFF8000  }
0x76: {  	[tilespmem:s22], [sflag:$0x1] =	stream.indirect.gather [spmem:s2], $0x40, s18, s13, $0xb8;
	[tilespmem:$0x16598] =	vst v63  }
0x77: {  	s21 =	simm.s32 $0x680  }
0x78: {  	[tilespmem:s24], [sflag:$0x1] =	stream.indirect.gather [spmem:s2], $0x40, s21, s13, $0xb8;
	[tilespmem:$0x16598] =	vst v63  }
0x79: {  	s25 =	simm.s32 $0x700  }
0x7a: {  	[tilespmem:s26], [sflag:$0x1] =	stream.indirect.gather [spmem:s2], $0x40, s25, s13, $0xb8;
	[tilespmem:$0x16598] =	vst v63  }
0x7b: {  	s28 =	simm.s32 $0x780  }
0x7c: {  	[tilespmem:s29], [sflag:$0x1] =	stream.indirect.gather [spmem:s2], $0x40, s28, s13, $0xb8;
	[tilespmem:$0x16598] =	vst v63  }
0x7d: {  	_ =	swait.ge [sflag:s20], $0x2000  }
0x7e: {  	[sflag:s20] =	ssyncset.done $0x0  }
0x7f: {  	[sflag:s20] =	ssyncadd.s32 $0xFFFFE000  }
0x80: {  	_ =	swait.ge [sflag:s20], $0x2000  }
0x81: {  	[sflag:s20] =	ssyncset.done $0x0  }
0x82: {  	[sflag:s20] =	ssyncadd.s32 $0xFFFFE000  }
0x83: {  	_ =	swait.ge [sflag:s20], $0x2000  }
0x84: {  	[sflag:s20] =	ssyncset.done $0x0  }
0x85: {  	[sflag:s20] =	ssyncadd.s32 $0xFFFFE000  }
0x86: {  	_ =	swait.ge [sflag:s20], $0x2000  }
0x87: {  	s16 =	simm.s32 $0x1000;
	s10 =	smov.u32 s23;
	[sflag:s20] =	ssyncset.done $0x0  }
0x88: {  	s18 =	sadd.s32 $0x10000, s9;
	s21 =	sadd.s32 $0x2000, s23;
	[sflag:s20] =	ssyncadd.s32 $0xFFFFE000  }
.LBB2_4:
0x89: {  	[hbm4b:s10+s3] =	stream.linear.scatter [tilespmem:s22], [sflag:$0x3], $0x8000, $0x38;
	[tilespmem:$0x16598] =	vst v63  }
0x8a: {  	s25 =	smov.u32 s16;
	s10 =	smov.u32 s21  }
0x8b: {  	p1 =	sne.s32 s16, $0x17000;
	s16 =	sadd.s32 $0x1000, s16;
	_ =	swait.ge [sflag:s30], $0x8000  }
0x8c: {  	s25 =	sshra.s32 s25, $0x2;
	[sflag:s30] =	ssyncset.done $0x0  }
0x8d: {  	s28 =	sadd.s32 $0x400, s25;
	[sflag:s30] =	ssyncadd.s32 $0xFFFF8000  }
0x8e: {  	[tilespmem:s14], [sflag:$0x1] =	stream.indirect.gather [spmem:s2], $0x40, s28, s13, $0xb8;
	[tilespmem:$0x16598] =	vst v63  }
0x8f: {  	s28 =	sadd.s32 $0x480, s25  }
0x90: {  	[tilespmem:s15], [sflag:$0x1] =	stream.indirect.gather [spmem:s2], $0x40, s28, s13, $0xb8;
	[tilespmem:$0x16598] =	vst v63  }
0x91: {  	s28 =	sadd.s32 $0x500, s25  }
0x92: {  	[tilespmem:s17], [sflag:$0x1] =	stream.indirect.gather [spmem:s2], $0x40, s28, s13, $0xb8;
	[tilespmem:$0x16598] =	vst v63  }
0x93: {  	s28 =	sadd.s32 $0x580, s25  }
0x94: {  	[tilespmem:s19], [sflag:$0x1] =	stream.indirect.gather [spmem:s2], $0x40, s28, s13, $0xb8;
	[tilespmem:$0x16598] =	vst v63  }
0x95: {  	_ =	swait.ge [sflag:s20], $0x2000  }
0x96: {  	[sflag:s20] =	ssyncset.done $0x0  }
0x97: {  	[sflag:s20] =	ssyncadd.s32 $0xFFFFE000  }
0x98: {  	_ =	swait.ge [sflag:s20], $0x2000  }
0x99: {  	[sflag:s20] =	ssyncset.done $0x0  }
0x9a: {  	[sflag:s20] =	ssyncadd.s32 $0xFFFFE000  }
0x9b: {  	_ =	swait.ge [sflag:s20], $0x2000  }
0x9c: {  	[sflag:s20] =	ssyncset.done $0x0  }
0x9d: {  	[sflag:s20] =	ssyncadd.s32 $0xFFFFE000  }
0x9e: {  	_ =	swait.ge [sflag:s20], $0x2000  }
0x9f: {  	s28 =	sshrl.u32 s18, $0x3;
	[sflag:s20] =	ssyncset.done $0x0  }
0xa0: {  	s28 =	sadd.s32 s1, s28;
	[sflag:s20] =	ssyncadd.s32 $0xFFFFE000  }
0xa1: {  	[hbm4b:s28+s3] =	stream.linear.scatter [tilespmem:s14], [sflag:$0x2], $0x8000, $0x38;
	[tilespmem:$0x16598] =	vst v63  }
0xa2: {  	_ =	swait.ge [sflag:s31], $0x8000  }
0xa3: {  	[sflag:s31] =	ssyncset.done $0x0  }
0xa4: {  	s28 =	sadd.s32 $0x600, s25;
	[sflag:s31] =	ssyncadd.s32 $0xFFFF8000  }
0xa5: {  	[tilespmem:s22], [sflag:$0x1] =	stream.indirect.gather [spmem:s2], $0x40, s28, s13, $0xb8;
	[tilespmem:$0x16598] =	vst v63  }
0xa6: {  	s28 =	sadd.s32 $0x680, s25  }
0xa7: {  	[tilespmem:s24], [sflag:$0x1] =	stream.indirect.gather [spmem:s2], $0x40, s28, s13, $0xb8;
	[tilespmem:$0x16598] =	vst v63  }
0xa8: {  	s28 =	sadd.s32 $0x700, s25  }
0xa9: {  	[tilespmem:s26], [sflag:$0x1] =	stream.indirect.gather [spmem:s2], $0x40, s28, s13, $0xb8;
	[tilespmem:$0x16598] =	vst v63  }
0xaa: {  	s25 =	sadd.s32 $0x780, s25  }
0xab: {  	[tilespmem:s29], [sflag:$0x1] =	stream.indirect.gather [spmem:s2], $0x40, s25, s13, $0xb8;
	[tilespmem:$0x16598] =	vst v63  }
0xac: {  	_ =	swait.ge [sflag:s20], $0x2000  }
0xad: {  	[sflag:s20] =	ssyncset.done $0x0  }
0xae: {  	[sflag:s20] =	ssyncadd.s32 $0xFFFFE000  }
0xaf: {  	_ =	swait.ge [sflag:s20], $0x2000  }
0xb0: {  	[sflag:s20] =	ssyncset.done $0x0  }
0xb1: {  	[sflag:s20] =	ssyncadd.s32 $0xFFFFE000  }
0xb2: {  	_ =	swait.ge [sflag:s20], $0x2000  }
.Ltmp1:
0xb3: {  	[sflag:s20] =	ssyncset.done $0x0;
	(pc) =	sbr.rel @p1 .LBB2_4-.Ltmp1, $4  }
0xb4: {  	[sflag:s20] =	ssyncadd.s32 $0xFFFFE000  }
0xb5: {  	_ =	swait.ge [sflag:s20], $0x2000  }
0xb6: {  	[sflag:s20] =	ssyncset.done $0x0  }
0xb7: {  	s21 =	sadd.s32 $0x2000, s21;
	s18 =	sadd.s32 $0x10000, s18;
	[sflag:s20] =	ssyncadd.s32 $0xFFFFE000  }
0xb8: {  	[hbm4b:s10+s3] =	stream.linear.scatter [tilespmem:s22], [sflag:$0x3], $0x8000, $0x38;
	[tilespmem:$0x16598] =	vst v63  }
0xb9: {  	s0 =	sadd.s32 $0x1, s0  }
0xba: {  	_ =	swait.ge [sflag:s30], $0x8000;
	p1 =	sne.s32 s0, s8  }
.Ltmp2:
0xbb: {  	[sflag:s30] =	ssyncset.done $0x0;
	(pc) =	sbr.rel @p1 .LBB2_1-.Ltmp2, $4  }
0xbc: {  	[sflag:s30] =	ssyncadd.s32 $0xFFFF8000  }
0xbd: {  	_ =	swait.ge [sflag:s31], $0x8000  }
0xbe: {  	[sflag:s31] =	ssyncset.done $0x0  }
0xbf: {  	[sflag:s31] =	ssyncadd.s32 $0xFFFF8000  }
0xc0: {  	_ =	sfence.sel $0x180000  }
0xc1: {  	[bflag:$0x0] =	sbarrier.arrive $0xFFFF  }
0xc2: {  	_ =	strace $0x90000047  }
0xc3: {  	[bflag:$0x2] =	sbarrier.arrive $0xFFFF  }
0xc4: {  	s0 =	rddreg [dreg:$0x3]  }
0xc5: {  	s0 =	sadd.s32 @!p0 $0x100000, s0  }
0xc6: {  	[sflag:s0] =	ssyncadd.tile.s32 @!p0 $0x1;
	_ =	shalt  }
.Lfunc_end2:
_tile_overlayer_lowered:
.L_overlay_start_2:
0xc7: {  	(tag) =	ssettag $0x2  }
0xc8: {  	s0 =	rddreg [dreg:$0x0];
	s2 =	stileid.u32  }
0xc9: {  	s1 =	rddreg [dreg:$0x1];
	p0 =	sne.s32 s2, $0x0  }
0xca: {  	s3 =	rddreg [dreg:$0x2];
	[bflag:$0x3] =	sbarrier.arrive $0xFFFF;
	s2 =	simm.s32 @!p0 $0x1C04  }
0xcb: {  	[timem:s3], [sflag:s2] =	dma.local @!p0 [hbm:s0], s1  }
0xcc: {  	s0 =	simm.s32 @!p0 $0x4  }
0xcd: {  	_ =	swait.ge @!p0 [sflag:s0], s1  }
0xce: {  	s1 =	ssub.s32 @!p0 $0x0, s1;
	[sflag:s0] =	ssyncset.done @!p0 $0x0  }
0xcf: {  	[sflag:s0] =	ssyncadd.s32 @!p0 s1  }
0xd0: {  	[bflag:$0x3] =	sbarrier.arrive $0xFFFF  }
0xd1: {  	_ =	shalt  }

// kernel: sparse-core-data-format-call.cloned.1.call-start
scs
called_computation_lowered:
.L_overlay_start_0:
0x0: {  	s2 =	sld [smem:$0x3FD9]  }
0x1: {  	s3 =	sld [smem:$0x3FFE];
	_ =	sdelay $0x1  }
0x2: {  	s1 =	srdreg.scid  }
0x3: {  	s0 =	sand.u32 $0x1, s1  }
0x4: {  	s18 =	sshll.u32 s0, $0xA;
	s2 =	sadd.s32 s3, s2  }
0x5: {  	s2 =	sadd.s32 s2, s18  }
0x6: {  	[smem:$0x3FC6] =	sst s2  }
0x7: {  	_ = 	snop  }
0x8: {  	s2 =	sld [smem:$0x3FD0];
	(tm) =	ssettm $0x1  }
0x9: {  	s19 =	sld [smem:$0x3FFB];
	_ =	sdelay $0x3  }
0xa: {  	_ =	strace s19  }
0xb: {  	s3 =	sld [smem:$0x3FFC];
	_ =	sdelay $0x3  }
0xc: {  	_ =	strace s3  }
0xd: {  	s3 =	sld [smem:$0x3FFD];
	_ =	sdelay $0x3  }
0xe: {  	_ =	strace s3  }
0xf: {  	_ =	strace $0x8FFFFFFF  }
0x10: {  	s20 =	sld [smem:$0x3FDB];
	_ =	sdelay $0x1  }
0x11: {  	s4 =	simm.s32 $_scs_section_size  }
0x12: {  	s5 =	simm.s32 $_size__tile_overlayer_lowered;
	s6 =	simm.s32 $_tile_overlayer_lowered  }
0x13: {  	s23 =	simm.s32 $0x1BFF;
	s22 =	sshll.u32 s6, $0x1;
	s3 =	sadd.s32 s4, s20  }
0x14: {  	s7 =	simm.s32 $0x0;
	s21 =	sshll.u32 s5, $0x1;
	s5 =	sadd.s32 s22, s3  }
0x15: {  	[timem:s7], [sflag:s23] =	dma.local [hbm:s5], s21  }
0x16: {  	_ =	swait.ge [sflag:s23], s21  }
0x17: {  	s4 =	ssub.s32 $0x0, s21;
	[sflag:s23] =	ssyncset.done $0x0  }
0x18: {  	[sflag:s23] =	ssyncadd.s32 s4;
	_ =	sdelay $0x1  }
0x19: {  	s24 =	simm.s32 $0x1B8B  }
0x1a: {  	_ =	swait.ge [sflag:s24], $0x1  }
0x1b: {  	[sflag:s24] =	ssyncset.done $0x0  }
0x1c: {  	s26 =	simm.s32 $0x1B8E;
	s25 =	sld [smem:$0x3FFE];
	[sflag:s24] =	ssyncadd.s32 $0xFFFFFFFF  }
0x1d: {  	s27 =	simm.s32 $execute0_lowered;
	[smem:$0x3FD2] =	sst s26  }
0x1e: {  	s5 =	sshll.u32 s27, $0x1;
	_ =	strace $0x80000049;
	[dreg:$0x1] =	wrdreg $0xFFFFFFFF  }
0x1f: {  	s28 =	simm.s32 $_size_execute0_lowered;
	s3 =	sadd.s32 s3, s5;
	[dreg:$0x0] =	wrdreg $0x0  }
0x20: {  	s5 =	sshll.u32 s28, $0x1;
	[dreg:$0x2] =	wrdreg s3  }
0x21: {  	[dreg:$0x3] =	wrdreg s5  }
0x22: {  	[dreg:$0x4] =	wrdreg $0xC0  }
0x23: {  	_ =	task [dreg:s7], $0x5FFFF  }
0x24: {  	[dreg:$0x1] =	wrdreg $0xFFFFFFFF  }
0x25: {  	[dreg:$0x0] =	wrdreg $0x60  }
0x26: {  	[dreg:$0x2] =	wrdreg s25  }
0x27: {  	[dreg:$0x3] =	wrdreg s2  }
0x28: {  	[dreg:$0x4] =	wrdreg $0x9  }
0x29: {  	_ =	task.clear_ibuf [dreg:s7], $0x5FFFF;
	_ =	strace $0x90000049  }
0x2a: {  	s29 =	simm.s32 $0x9;
	_ =	strace $0x8000004B  }
0x2b: {  	_ =	swait.ge [sflag:s29], $0x1  }
0x2c: {  	[sflag:s29] =	ssyncadd.s32 $0xFFFFFFFF  }
0x2d: {  	_ =	strace $0x9000004B  }
0x2e: {  	_ =	sfence  }
0x2f: {  	s30 =	sld [smem:$0x0];
	_ =	sdelay $0x2  }
0x30: {  	s31 =	sshll.u32 s1, $0xD;
	s1 =	sshrl.u32 s1, $0x2  }
0x31: {  	s3 =	sand.u32 $0x4000, s31;
	s1 =	sadd.s32 s1, s30  }
0x32: {  	s0 =	sor.u32 s3, s0;
	s1 =	sshll.u32 s1, $0x11  }
0x33: {  	s0 =	sor.u32 s1, s0  }
0x34: {  	s0 =	sadd.s32 $0x8F2B, s0  }
0x35: {  	[sflag:s0] =	ssyncadd.remote.s32 $0x1  }
0x36: {  	_ =	sfence.sel $0xFFFF  }
0x37: {  	[dreg:$0x0] =	wrdreg $0xFFFFFFFF;
	(pc) =	sbr.abs _section_cstart, $3  }
0x38: {  	[dreg:$0x1] =	wrdreg $0xFFFFFFFF  }
0x39: {  	_ =	task.clear_ibuf [dreg:s7], $0x2FFFF;
	_ =	strace $0x9FFFFFFF  }
0x3a: {  	(tm) =	ssettm $0x7FFFFFFF  }
0x3b: {  	_ =	shalt  }
tec
execute0_lowered:
.L_overlay_start_1:
0x0: {  	(tag) =	ssettag $0x1  }
0x1: {  	s0 =	srdreg.scid  }
0x2: {  	s1 =	sshll.u32 s0, $0x4  }
0x3: {  	s0 =	stileid.u32;
	s1 =	sand.u32 $0x10, s1  }
0x4: {  	s1 =	sor.u32 s0, s1  }
0x5: {  	s6 =	rddreg [dreg:$0x0];
	s4 =	simm.s32 $0x1;
	s2 =	sshll.u32 s1, $0x7  }
0x6: {  	s7 =	simm.s32 $0x2;
	s12 =	simm.s32 $0x0;
	s1 =	ssub.s32 $0x1000, s2  }
0x7: {  	s8 =	simm.s32 $0x8000;
	s13 =	simm.s32 $0x0;
	s3 =	sand.u32 $0xF80, s1  }
0x8: {  	s9 =	simm.s32 $0x0;
	s5 =	sshrl.u32 s1, $0xC;
	p0 =	sne.s32 s3, $0x0  }
.Ltmp0:
0x9: {  	s1 =	rddreg [dreg:$0x2];
	s4 =	simm.s32 @!p0 $0x0;
	(pc) =	sbr.rel .LBB1_1-.Ltmp0, $4  }
0xa: {  	s11 =	simm.s32 $0x0;
	s3 =	rddreg [dreg:$0x1];
	s5 =	sadd.s32 s4, s5  }
0xb: {  	_ =	strace $0x8000004A;
	s4 =	simm.s32 $0x1;
	s5 =	smul.u32 $0xC8, s5  }
0xc: {  	s6 =	sadd.s32 $0x800, s6;
	s10 =	smov.u32 s2;
	[sflag:s4] =	ssyncpa.u1 $0x0  }
0xd: {  	p0 =	por $0x0, $0x0;
	[sflag:s7] =	ssyncpa.u1 $0x0;
	s7 =	sor.u32 $0x1, s5  }
.LBB1_4:
0xe: {  	s16 =	sshll.u32 s13, $0x3;
	s17 =	sand.u32 $0x78, s13  }
0xf: {  	s30 =	sand.u32 $0x7E00, s13;
	s12 =	sshll.u32 s12, $0xF;
	s16 =	sand.u32 $0xC00, s16  }
0x10: {  	[tilespmem:s15+$0x810 ss:$0x81] =	vst.msk $0xffff, v2;
	s31 =	sand.u32 $0x7, s13;
	s16 =	sor.u32 s17, s16;
	s17 =	sadd.s32 s3, s30  }
0x11: {  	[tilespmem:s15+$0x1020 ss:$0x81] =	vst.msk $0xffff, v0;
	s13 =	sshll.u32 s31, $0x12;
	s12 =	sadd.s32 s12, s17;
	s16 =	sshrl.u32 s16, $0x3  }
0x12: {  	[tilespmem:s15+$0x0 ss:$0x81] =	vst.msk $0xffff, v1;
	s13 =	sor.u32 $0x400, s13;
	s12 =	sadd.s32 s16, s12  }
0x13: {  	[hbm4b:s12+s13] =	stream.strided.scatter [tilespmem:s14], [sflag:$0x2], $0x2000, s8, s13, $0x20;
	[tilespmem:$0x8080] =	vst v63  }
.LBB1_5:
0x14: {  	s14 =	sadd.s32 $0x1, s9  }
0x15: {  	s12 =	sadd.s32 $0x1000, s10;
	s16 =	smov.u32 s10;
	p2 =	sgt.s32 s14, $0xC7  }
0x16: {  	s16 =	smov.u32 @p2 s12  }
0x17: {  	s14 =	simm.s32 @p2 $0x0;
	p2 =	sgt.s32 s16, $0xFFF  }
0x18: {  	s16 =	smov.u32 @p2 s2;
	p2 =	sne.s32 s11, s7  }
.Ltmp1:
0x19: {  	p1 =	slt.u32 s11, $0x2;
	(pc) =	sbr.rel @!p2 .LBB1_6-.Ltmp1, $4  }
0x1a: {  	s15 =	simm.s32 @!p1 $0x2  }
0x1b: {  	s13 =	smov.u32 s10;
	p0 =	por !p0, !p0;
	_ =	swait.ge @!p1 [sflag:s15], $0x2000  }
0x1c: {  	s12 =	smov.u32 s9;
	[sflag:s15] =	ssyncset.done @!p1 $0x0;
	s9 =	smov.u32 s14  }
0x1d: {  	s11 =	sadd.s32 $0x1, s11;
	[sflag:s15] =	ssyncadd.s32 @!p1 $0xFFFFE000;
	s10 =	smov.u32 s16  }
.LBB1_1:
0x1e: {  	p1 =	sge.u32 s11, s5  }
0x1f: {  	s14 =	sand.u32 @!p1 $0x1FFFFFF, s9  }
0x20: {  	s15 =	smulhi.u32 @!p1 $0x147AE15, s14;
	_ =	sdelay $0x1  }
0x21: {  	s15 =	smul.u32 @!p1 $0xC8, s15  }
0x22: {  	s16 =	sxor.u32 @!p1 $0xFFFFFFFF, s11;
	s17 =	smul.u32 @!p1 $0xC80, s10  }
0x23: {  	s31 =	sadd.s32 $0xFFFFFFFF, s11;
	s16 =	sshll.u32 @!p1 s16, $0xD;
	s14 =	ssub.s32 @!p1 s14, s15  }
0x24: {  	s15 =	sand.u32 @!p1 $0x2000, s16;
	s16 =	sadd.s32 @!p1 s6, s17;
	s14 =	sshll.u32 @!p1 s14, $0x4  }
0x25: {  	s17 =	simm.s32 @!p1 $0x6400;
	s14 =	sadd.s32 @!p1 s14, s16;
	s16 =	simm.s32 @!p1 $0x40  }
0x26: {  	[tilespmem:s15], [sflag:$0x1] =	stream.strided.gather @!p1 [hbm4b:s14+s16], $0x2000, s17, s16, $0x38;
	[tilespmem:$0x8080] =	vst v63  }
0x27: {  	p1 =	sge.u32 s31, s5  }
.Ltmp2:
0x28: {  	_ = 	snop;
	(pc) =	sbr.rel @p1 .LBB1_5-.Ltmp2, $1  }
0x29: {  	_ =	sdelay $0x3  }
0x2a: {  	s14 =	simm.s32 $0x1  }
0x2b: {  	_ =	swait.ge [sflag:s4], $0x2000;
	s14 =	simm.s32 @!p0 $0x0  }
0x2c: {  	[sflag:s4] =	ssyncset.done $0x0;
	s15 =	sshll.u32 s14, $0xD  }
0x2d: {  	[sflag:s4] =	ssyncadd.s32 $0xFFFFE000;
	s18 =	sor.u32 $0x20, s15  }
0x2e: {  	s14 =	smul.u32 $0x8100, s14;
	v3 =	vld [tilespmem:s18+$0x10]  }
0x2f: {  	s30 =	sand.u32 $0x1, s11;
	v2 =	vld [tilespmem:s18+$0xFFFFFFF0]  }
0x30: {  	s15 =	smul.u32 $0x8100, s30;
	s14 =	sshrl.u32 s14, $0x2;
	v0 =	vld [tilespmem:s18+$0x0]  }
0x31: {  	v1 =	vld [tilespmem:s18+$0xFFFFFFE0];
	s16 =	sor.u32 $0x4000, s14  }
0x32: {  	s31 =	sshrl.u32 s15, $0x2;
	s15 =	sadd.s32 $0x0, s16  }
0x33: {  	s17 =	simm.s32 $0x4;
	s18 =	sadd.s32 $0x40, s18;
	s14 =	sor.u32 $0x4000, s31;
	[tilespmem:s15+$0x1830 ss:$0x81] =	vst.msk $0xffff, v3  }
.LBB1_3:
0x34: {  	v3 =	vld [tilespmem:s18+$0x10];
	p1 =	sne.s32 s17, $0x1FC;
	[tilespmem:s15+$0x810 ss:$0x81] =	vst.msk $0xffff, v2;
	s19 =	smov.u32 s17;
	s17 =	sadd.s32 $0x4, s17  }
.Ltmp3:
0x35: {  	v2 =	vld [tilespmem:s18+$0xFFFFFFF0];
	[tilespmem:s15+$0x1020 ss:$0x81] =	vst.msk $0xffff, v0;
	(pc) =	sbr.rel @p1 .LBB1_3-.Ltmp3, $4  }
0x36: {  	v0 =	vld [tilespmem:s18+$0x0];
	[tilespmem:s15+$0x0 ss:$0x81] =	vst.msk $0xffff, v1  }
0x37: {  	s15 =	sshra.s32 s19, $0x2;
	v1 =	vld [tilespmem:s18+$0xFFFFFFE0]  }
0x38: {  	s15 =	sadd.s32 s15, s16  }
0x39: {  	s18 =	sadd.s32 $0x40, s18;
	[tilespmem:s15+$0x1830 ss:$0x81] =	vst.msk $0xffff, v3  }
.Ltmp4:
0x3a: {  	_ = 	snop;
	(pc) =	sbr.rel .LBB1_4-.Ltmp4, $1  }
0x3b: {  	_ =	sdelay $0x3  }
.LBB1_6:
0x3c: {  	_ =	sfence.sel $0x180000  }
0x3d: {  	s2 =	simm.s32 $0x1;
	[bflag:$0x0] =	sbarrier.arrive $0xFFFF  }
0x3e: {  	s31 =	simm.s32 $0x2;
	[sflag:s2] =	ssyncpa.u1 $0x1  }
0x3f: {  	[sflag:s31] =	ssyncpa.u1 $0x1  }
0x40: {  	p0 =	sne.s32 s0, $0x0;
	_ =	strace $0x9000004A  }
0x41: {  	s0 =	sadd.s32 @!p0 $0x100000, s1;
	[bflag:$0x2] =	sbarrier.arrive $0xFFFF  }
0x42: {  	[sflag:s0] =	ssyncadd.tile.s32 @!p0 $0x1;
	_ =	shalt  }
.Lfunc_end1:
_tile_overlayer_lowered:
.L_overlay_start_2:
0x43: {  	(tag) =	ssettag $0x2  }
0x44: {  	s0 =	rddreg [dreg:$0x0];
	s2 =	stileid.u32  }
0x45: {  	s1 =	rddreg [dreg:$0x1];
	p0 =	sne.s32 s2, $0x0  }
0x46: {  	s3 =	rddreg [dreg:$0x2];
	[bflag:$0x3] =	sbarrier.arrive $0xFFFF;
	s2 =	simm.s32 @!p0 $0x1C01  }
0x47: {  	[timem:s3], [sflag:s2] =	dma.local @!p0 [hbm:s0], s1  }
0x48: {  	s0 =	simm.s32 @!p0 $0x1  }
0x49: {  	_ =	swait.ge @!p0 [sflag:s0], s1  }
0x4a: {  	s1 =	ssub.s32 @!p0 $0x0, s1;
	[sflag:s0] =	ssyncset.done @!p0 $0x0  }
0x4b: {  	[sflag:s0] =	ssyncadd.s32 @!p0 s1  }
0x4c: {  	[bflag:$0x3] =	sbarrier.arrive $0xFFFF  }
0x4d: {  	_ =	shalt  }

</sc_bundles>
